<compile_context>
chip_gen: v7x
topology: tpu7x:2x2x1
jax: 0.10.2.dev20260603
libtpu: 0.0.44.dev20260713+nightly
codegen_flags: <defaults>
</compile_context>

<pallas_src>
import functools

import jax
import jax.numpy as jnp
from jax import lax
from jax.experimental import pallas as pl
from jax.experimental.pallas import tpu as pltpu
from jax.experimental.pallas import tpu_sc as plsc

VOCAB, EDIM, HID = 100000, 64, 128


_ROWS_PER_BLK = 4000


def _mlp_body(tab, Wp, Wt0, bt0, Wg0, bg0, Wt1, bt1, Wg1, bg1, out):
    mm = lambda a, w: jnp.dot(a.astype(jnp.bfloat16), w[...].astype(jnp.bfloat16),
                              preferred_element_type=jnp.float32)
    h = mm(tab[...], Wp)
    for Wt, bt, Wg, bg in ((Wt0, bt0, Wg0, bg0), (Wt1, bt1, Wg1, bg1)):
        g = 0.5 * jnp.tanh((mm(h, Wg) + bg[...]) * 0.5) + 0.5
        t = jnp.maximum(mm(h, Wt) + bt[...], 0.0)
        h = g * (t - h) + h
    out[...] = h


def _fuse_table(table, Wp, Wt0, bt0, Wg0, bg0, Wt1, bt1, Wg1, bg1):
    n_blk = VOCAB // _ROWS_PER_BLK
    full = lambda shape: pl.BlockSpec(shape, lambda i: (0, 0))
    return pl.pallas_call(
        _mlp_body,
        grid=(n_blk,),
        in_specs=[
            pl.BlockSpec((_ROWS_PER_BLK, EDIM), lambda i: (i, 0)),
            full((EDIM, HID)),
            full((HID, HID)), full((1, HID)),
            full((HID, HID)), full((1, HID)),
            full((HID, HID)), full((1, HID)),
            full((HID, HID)), full((1, HID)),
        ],
        out_specs=pl.BlockSpec((_ROWS_PER_BLK, HID), lambda i: (i, 0)),
        out_shape=jax.ShapeDtypeStruct((VOCAB, HID), jnp.float32),
    )(table, Wp,
      Wt0, bt0.reshape(1, HID), Wg0, bg0.reshape(1, HID),
      Wt1, bt1.reshape(1, HID), Wg1, bg1.reshape(1, HID))



_CHUNK = 128
_NBUF = 5
_LA = 3


def _make_sc_gather(B):
    info = plsc.get_sparse_core_info()
    NC, NS = info.num_cores, info.num_subcores
    NW = NC * NS
    assert B % (NW * _CHUNK * _NBUF) == 0
    b_per_w = B // NW
    n_chunks = b_per_w // _CHUNK
    n_groups = n_chunks // _NBUF
    assert n_groups >= 3
    mesh = plsc.VectorSubcoreMesh(core_axis_name="c", subcore_axis_name="s")

    @functools.partial(
        pl.kernel,
        mesh=mesh,
        out_type=jax.ShapeDtypeStruct((B, HID), jnp.float32),
        scratch_types=[
            pltpu.VMEM((n_chunks, _CHUNK), jnp.int32),
            [pltpu.VMEM((_CHUNK, HID), jnp.float32) for _ in range(_NBUF)],
            [pltpu.SemaphoreType.DMA for _ in range(_NBUF)],
            [pltpu.SemaphoreType.DMA for _ in range(_NBUF)],
        ],
    )
    def sc_gather(ftab_hbm, idx_hbm, out_hbm, idx_v, bufs, sem_g, sem_w):
        wid = lax.axis_index("s") * NC + lax.axis_index("c")
        base = wid * b_per_w

        pltpu.sync_copy(idx_hbm.at[pl.ds(wid * n_chunks, n_chunks)], idx_v)

        def fire_g(j, b):
            pltpu.async_copy(ftab_hbm.at[idx_v.at[j]], bufs[b], sem_g[b])

        def wait_g(b):
            pltpu.make_async_copy(ftab_hbm.at[idx_v.at[0]], bufs[b], sem_g[b]).wait()

        def fire_w(j, b):
            pltpu.async_copy(bufs[b], out_hbm.at[pl.ds(base + j * _CHUNK, _CHUNK)], sem_w[b])

        def wait_w(b):
            pltpu.make_async_copy(bufs[b], out_hbm.at[pl.ds(base, _CHUNK)], sem_w[b]).wait()

        for j in range(_LA):
            fire_g(j, j % _NBUF)
        for b in range(_NBUF):
            if b >= _NBUF - _LA:
                wait_w((b + _LA) % _NBUF)
            fire_g(b + _LA, (b + _LA) % _NBUF)
            wait_g(b)
            fire_w(b, b)

        @pl.loop(1, n_groups - 1)
        def _(g):
            j0 = g * _NBUF
            for b in range(_NBUF):
                bn = (b + _LA) % _NBUF
                wait_w(bn)
                fire_g(j0 + b + _LA, bn)
                wait_g(b)
                fire_w(j0 + b, b)

        m = n_chunks - _NBUF
        for b in range(_NBUF):
            if b < _NBUF - _LA:
                wait_w((b + _LA) % _NBUF)
                fire_g(m + b + _LA, (b + _LA) % _NBUF)
            wait_g(b)
            fire_w(m + b, b)
        for b in range(_NBUF):
            wait_w(b)

    return sc_gather


def kernel(x, table, Wp, Wt0, bt0, Wg0, bg0, Wt1, bt1, Wg1, bg1):
    B, L = x.shape
    ftab = _fuse_table(table.astype(jnp.bfloat16), Wp, Wt0, bt0, Wg0, bg0, Wt1, bt1, Wg1, bg1)
    idx2d = x.reshape(B * L // _CHUNK, _CHUNK)
    out = _make_sc_gather(B * L)(ftab, idx2d)
    return out.reshape(B, L, HID)

# --- scband reference (transcript-rebuilt; emitter-appended) ---
"""Pipeline reference for scband-embedding-32667521253489 (READ-ONLY COPY).

The authoritative reference and input builder live on the scoring server;
editing this copy changes nothing except your own understanding.
"""

import jax, jax.numpy as jnp
import numpy as np

VOCAB, EDIM, HID = 100000, 64, 128
B, L = 4096, 200


def setup_inputs(seed: int = 0) -> dict:
    key = jax.random.key(seed)
    ks = jax.random.split(key, 12)
    x = jax.random.randint(ks[0], (B, L), 0, VOCAB, dtype=jnp.int32)
    table = jax.random.normal(ks[1], (VOCAB, EDIM), dtype=jnp.float32) * 0.1
    Wp = jax.random.normal(ks[2], (EDIM, HID), dtype=jnp.float32) * (1.0 / np.sqrt(EDIM))
    stdv = 1.0 / np.sqrt(HID)
    # highway layer 0
    Wt0 = jax.random.normal(ks[3], (HID, HID), dtype=jnp.float32) * np.sqrt(2.0 / HID)
    bt0 = jax.random.uniform(ks[4], (HID,), dtype=jnp.float32, minval=-stdv, maxval=stdv)
    Wg0 = jax.random.normal(ks[5], (HID, HID), dtype=jnp.float32) * np.sqrt(2.0 / HID)
    bg0 = jnp.full((HID,), -2.0, dtype=jnp.float32)
    # highway layer 1
    Wt1 = jax.random.normal(ks[6], (HID, HID), dtype=jnp.float32) * np.sqrt(2.0 / HID)
    bt1 = jax.random.uniform(ks[7], (HID,), dtype=jnp.float32, minval=-stdv, maxval=stdv)
    Wg1 = jax.random.normal(ks[8], (HID, HID), dtype=jnp.float32) * np.sqrt(2.0 / HID)
    bg1 = jnp.full((HID,), -2.0, dtype=jnp.float32)
    return {"x": x, "table": table, "Wp": Wp, "Wt0": Wt0, "bt0": bt0,
            "Wg0": Wg0, "bg0": bg0, "Wt1": Wt1, "bt1": bt1, "Wg1": Wg1, "bg1": bg1}


def reference(x, table, Wp, Wt0, bt0, Wg0, bg0, Wt1, bt1, Wg1, bg1):
    # embedding lookup (frozen pretrained table); dropout is identity in eval mode
    emb = jnp.take(table, x, axis=0)              # [B, L, EDIM]
    h = emb @ Wp                                   # proj, bias=False -> [B, L, HID]
    # HighwayEncoder with num_layers=2
    for Wt, bt, Wg, bg in ((Wt0, bt0, Wg0, bg0), (Wt1, bt1, Wg1, bg1)):
        g = jax.nn.sigmoid(h @ Wg + bg)
        t = jax.nn.relu(h @ Wt + bt)
        h = g * t + (1.0 - g) * h
    return h

if __name__ == "__main__":
    import jax
    _d = setup_inputs()
    print(jax.jit(kernel)(*tuple(_d.values())))

</pallas_src>

<mosaic_0001>
#map = affine_map<(d0, d1) -> (0, 0)>
module attributes {stable_mosaic.version = 14 : i64} {
  func.func @sc_gather(%arg0: i32, %arg1: i32, %arg2: memref<100000x128xf32, #tpu.memory_space<hbm>>, %arg3: memref<6400x128xi32, #tpu.memory_space<hbm>>, %arg4: memref<819200x128xf32, #tpu.memory_space<hbm>>, %arg5: memref<200x128xi32, #tpu.memory_space<vmem>>, %arg6: memref<128x128xf32, #tpu.memory_space<vmem>>, %arg7: memref<128x128xf32, #tpu.memory_space<vmem>>, %arg8: memref<128x128xf32, #tpu.memory_space<vmem>>, %arg9: memref<128x128xf32, #tpu.memory_space<vmem>>, %arg10: memref<128x128xf32, #tpu.memory_space<vmem>>, %arg11: memref<!tpu.dma_semaphore, #tpu.memory_space<semaphore_mem>>, %arg12: memref<!tpu.dma_semaphore, #tpu.memory_space<semaphore_mem>>, %arg13: memref<!tpu.dma_semaphore, #tpu.memory_space<semaphore_mem>>, %arg14: memref<!tpu.dma_semaphore, #tpu.memory_space<semaphore_mem>>, %arg15: memref<!tpu.dma_semaphore, #tpu.memory_space<semaphore_mem>>, %arg16: memref<!tpu.dma_semaphore, #tpu.memory_space<semaphore_mem>>, %arg17: memref<!tpu.dma_semaphore, #tpu.memory_space<semaphore_mem>>, %arg18: memref<!tpu.dma_semaphore, #tpu.memory_space<semaphore_mem>>, %arg19: memref<!tpu.dma_semaphore, #tpu.memory_space<semaphore_mem>>, %arg20: memref<!tpu.dma_semaphore, #tpu.memory_space<semaphore_mem>>) attributes {dimension_semantics = [#tpu.dimension_semantics<core_parallel>, #tpu.dimension_semantics<subcore_parallel>], iteration_bounds = array<i64: 2, 16>, scalar_prefetch = 0 : i64, scratch_operands = 16 : i64, tpu.core_type = #tpu.core_type<sc_vector_subcore>, window_params = [{transform_indices = #map}, {transform_indices = #map}, {transform_indices = #map}]} {
    %mul3A = arith.constant 2 : i32
    %mul3A_0 = arith.muli %arg1, %mul3A : i32
    %add3A = arith.addi %mul3A_0, %arg0 : i32
    %mul3A_1 = arith.constant 25600 : i32
    %mul3A_2 = arith.muli %add3A, %mul3A_1 : i32
    %mul3A_3 = arith.constant 200 : i32
    %mul3A_4 = arith.muli %add3A, %mul3A_3 : i32
    "tpu.region"() ({
      %run_scoped3A = tpu.sem_alloc : memref<!tpu.dma_semaphore, #tpu.memory_space<semaphore_mem>>
      %dma_start3A_247 = arith.constant 0 : i32
      %dma_start3A_248 = tpu.memref_slice %arg3[%mul3A_4, %dma_start3A_247] : memref<6400x128xi32, #tpu.memory_space<hbm>> -> memref<200x128xi32, #tpu.memory_space<hbm>>
      %dma_start3A_249 = arith.constant 0 : i32
      %dma_start3A_250 = tpu.memref_slice %arg3[%mul3A_4, %dma_start3A_249] : memref<6400x128xi32, #tpu.memory_space<hbm>> -> memref<200x128xi32, #tpu.memory_space<hbm>>
      tpu.enqueue_dma source(%dma_start3A_250 : memref<200x128xi32, #tpu.memory_space<hbm>>) target(%arg5 : memref<200x128xi32, #tpu.memory_space<vmem>>) target_semaphore(%run_scoped3A : memref<!tpu.dma_semaphore, #tpu.memory_space<semaphore_mem>>)
      %dma_wait3A_251 = arith.constant 0 : i32
      %dma_wait3A_252 = tpu.memref_slice %arg3[%mul3A_4, %dma_wait3A_251] : memref<6400x128xi32, #tpu.memory_space<hbm>> -> memref<200x128xi32, #tpu.memory_space<hbm>>
      %dma_wait3A_253 = arith.constant 0 : i32
      %dma_wait3A_254 = tpu.memref_slice %arg3[%mul3A_4, %dma_wait3A_253] : memref<6400x128xi32, #tpu.memory_space<hbm>> -> memref<200x128xi32, #tpu.memory_space<hbm>>
      tpu.wait_dma2 semaphore(%run_scoped3A : memref<!tpu.dma_semaphore, #tpu.memory_space<semaphore_mem>>) src(%dma_wait3A_254 : memref<200x128xi32, #tpu.memory_space<hbm>>) dst(%arg5 : memref<200x128xi32, #tpu.memory_space<vmem>>)
      tpu.yield
    }) : () -> ()
    %dma_start3A = arith.constant 0 : i32
    %dma_start3A_5 = arith.constant 0 : i32
    %dma_start3A_6 = tpu.memref_slice %arg5[%dma_start3A, %dma_start3A_5] : memref<200x128xi32, #tpu.memory_space<vmem>> -> memref<1x128xi32, #tpu.memory_space<vmem>>
    %dma_start3A_7 = tpu.memref_squeeze %dma_start3A_6 : memref<1x128xi32, #tpu.memory_space<vmem>> -> memref<128xi32, #tpu.memory_space<vmem>>
    %dma_start3A_8 = arith.constant 0 : i32
    %dma_start3A_9 = arith.constant 0 : i32
    %dma_start3A_10 = tpu.memref_slice %arg2[%dma_start3A_8, %dma_start3A_9] : memref<100000x128xf32, #tpu.memory_space<hbm>> -> memref<100000x128xf32, #tpu.memory_space<hbm>>
    tpu.enqueue_indirect_dma source(%dma_start3A_10 : memref<100000x128xf32, #tpu.memory_space<hbm>>) target(%arg6 : memref<128x128xf32, #tpu.memory_space<vmem>>) offsets(%dma_start3A_7 : memref<128xi32, #tpu.memory_space<vmem>>) semaphore(%arg11 : memref<!tpu.dma_semaphore, #tpu.memory_space<semaphore_mem>>)
    %dma_start3A_11 = arith.constant 1 : i32
    %dma_start3A_12 = arith.constant 0 : i32
    %dma_start3A_13 = tpu.memref_slice %arg5[%dma_start3A_11, %dma_start3A_12] : memref<200x128xi32, #tpu.memory_space<vmem>> -> memref<1x128xi32, #tpu.memory_space<vmem>>
    %dma_start3A_14 = tpu.memref_squeeze %dma_start3A_13 : memref<1x128xi32, #tpu.memory_space<vmem>> -> memref<128xi32, #tpu.memory_space<vmem>>
    %dma_start3A_15 = arith.constant 0 : i32
    %dma_start3A_16 = arith.constant 0 : i32
    %dma_start3A_17 = tpu.memref_slice %arg2[%dma_start3A_15, %dma_start3A_16] : memref<100000x128xf32, #tpu.memory_space<hbm>> -> memref<100000x128xf32, #tpu.memory_space<hbm>>
    tpu.enqueue_indirect_dma source(%dma_start3A_17 : memref<100000x128xf32, #tpu.memory_space<hbm>>) target(%arg7 : memref<128x128xf32, #tpu.memory_space<vmem>>) offsets(%dma_start3A_14 : memref<128xi32, #tpu.memory_space<vmem>>) semaphore(%arg12 : memref<!tpu.dma_semaphore, #tpu.memory_space<semaphore_mem>>)
    %dma_start3A_18 = arith.constant 2 : i32
    %dma_start3A_19 = arith.constant 0 : i32
    %dma_start3A_20 = tpu.memref_slice %arg5[%dma_start3A_18, %dma_start3A_19] : memref<200x128xi32, #tpu.memory_space<vmem>> -> memref<1x128xi32, #tpu.memory_space<vmem>>
    %dma_start3A_21 = tpu.memref_squeeze %dma_start3A_20 : memref<1x128xi32, #tpu.memory_space<vmem>> -> memref<128xi32, #tpu.memory_space<vmem>>
    %dma_start3A_22 = arith.constant 0 : i32
    %dma_start3A_23 = arith.constant 0 : i32
    %dma_start3A_24 = tpu.memref_slice %arg2[%dma_start3A_22, %dma_start3A_23] : memref<100000x128xf32, #tpu.memory_space<hbm>> -> memref<100000x128xf32, #tpu.memory_space<hbm>>
    tpu.enqueue_indirect_dma source(%dma_start3A_24 : memref<100000x128xf32, #tpu.memory_space<hbm>>) target(%arg8 : memref<128x128xf32, #tpu.memory_space<vmem>>) offsets(%dma_start3A_21 : memref<128xi32, #tpu.memory_space<vmem>>) semaphore(%arg13 : memref<!tpu.dma_semaphore, #tpu.memory_space<semaphore_mem>>)
    %dma_start3A_25 = arith.constant 3 : i32
    %dma_start3A_26 = arith.constant 0 : i32
    %dma_start3A_27 = tpu.memref_slice %arg5[%dma_start3A_25, %dma_start3A_26] : memref<200x128xi32, #tpu.memory_space<vmem>> -> memref<1x128xi32, #tpu.memory_space<vmem>>
    %dma_start3A_28 = tpu.memref_squeeze %dma_start3A_27 : memref<1x128xi32, #tpu.memory_space<vmem>> -> memref<128xi32, #tpu.memory_space<vmem>>
    %dma_start3A_29 = arith.constant 0 : i32
    %dma_start3A_30 = arith.constant 0 : i32
    %dma_start3A_31 = tpu.memref_slice %arg2[%dma_start3A_29, %dma_start3A_30] : memref<100000x128xf32, #tpu.memory_space<hbm>> -> memref<100000x128xf32, #tpu.memory_space<hbm>>
    tpu.enqueue_indirect_dma source(%dma_start3A_31 : memref<100000x128xf32, #tpu.memory_space<hbm>>) target(%arg9 : memref<128x128xf32, #tpu.memory_space<vmem>>) offsets(%dma_start3A_28 : memref<128xi32, #tpu.memory_space<vmem>>) semaphore(%arg14 : memref<!tpu.dma_semaphore, #tpu.memory_space<semaphore_mem>>)
    %dma_wait3A = arith.constant 0 : i32
    %dma_wait3A_32 = arith.constant 0 : i32
    %dma_wait3A_33 = tpu.memref_slice %arg5[%dma_wait3A, %dma_wait3A_32] : memref<200x128xi32, #tpu.memory_space<vmem>> -> memref<1x128xi32, #tpu.memory_space<vmem>>
    %dma_wait3A_34 = tpu.memref_squeeze %dma_wait3A_33 : memref<1x128xi32, #tpu.memory_space<vmem>> -> memref<128xi32, #tpu.memory_space<vmem>>
    %dma_wait3A_35 = arith.constant 0 : i32
    %dma_wait3A_36 = arith.constant 0 : i32
    %dma_wait3A_37 = tpu.memref_slice %arg2[%dma_wait3A_35, %dma_wait3A_36] : memref<100000x128xf32, #tpu.memory_space<hbm>> -> memref<100000x128xf32, #tpu.memory_space<hbm>>
    tpu.wait_indirect_dma semaphore(%arg11 : memref<!tpu.dma_semaphore, #tpu.memory_space<semaphore_mem>>) src(%dma_wait3A_37 : memref<100000x128xf32, #tpu.memory_space<hbm>>) dst(%arg6 : memref<128x128xf32, #tpu.memory_space<vmem>>)
    %add3A_38 = arith.constant 0 : i32
    %add3A_39 = arith.addi %mul3A_2, %add3A_38 : i32
    %dma_start3A_40 = arith.constant 0 : i32
    %dma_start3A_41 = tpu.memref_slice %arg4[%add3A_39, %dma_start3A_40] : memref<819200x128xf32, #tpu.memory_space<hbm>> -> memref<128x128xf32, #tpu.memory_space<hbm>>
    %dma_start3A_42 = arith.constant 0 : i32
    %dma_start3A_43 = tpu.memref_slice %arg4[%add3A_39, %dma_start3A_42] : memref<819200x128xf32, #tpu.memory_space<hbm>> -> memref<128x128xf32, #tpu.memory_space<hbm>>
    tpu.enqueue_dma source(%arg6 : memref<128x128xf32, #tpu.memory_space<vmem>>) target(%dma_start3A_43 : memref<128x128xf32, #tpu.memory_space<hbm>>) target_semaphore(%arg16 : memref<!tpu.dma_semaphore, #tpu.memory_space<semaphore_mem>>)
    %dma_start3A_44 = arith.constant 4 : i32
    %dma_start3A_45 = arith.constant 0 : i32
    %dma_start3A_46 = tpu.memref_slice %arg5[%dma_start3A_44, %dma_start3A_45] : memref<200x128xi32, #tpu.memory_space<vmem>> -> memref<1x128xi32, #tpu.memory_space<vmem>>
    %dma_start3A_47 = tpu.memref_squeeze %dma_start3A_46 : memref<1x128xi32, #tpu.memory_space<vmem>> -> memref<128xi32, #tpu.memory_space<vmem>>
    %dma_start3A_48 = arith.constant 0 : i32
    %dma_start3A_49 = arith.constant 0 : i32
    %dma_start3A_50 = tpu.memref_slice %arg2[%dma_start3A_48, %dma_start3A_49] : memref<100000x128xf32, #tpu.memory_space<hbm>> -> memref<100000x128xf32, #tpu.memory_space<hbm>>
    tpu.enqueue_indirect_dma source(%dma_start3A_50 : memref<100000x128xf32, #tpu.memory_space<hbm>>) target(%arg10 : memref<128x128xf32, #tpu.memory_space<vmem>>) offsets(%dma_start3A_47 : memref<128xi32, #tpu.memory_space<vmem>>) semaphore(%arg15 : memref<!tpu.dma_semaphore, #tpu.memory_space<semaphore_mem>>)
    %dma_wait3A_51 = arith.constant 0 : i32
    %dma_wait3A_52 = arith.constant 0 : i32
    %dma_wait3A_53 = tpu.memref_slice %arg5[%dma_wait3A_51, %dma_wait3A_52] : memref<200x128xi32, #tpu.memory_space<vmem>> -> memref<1x128xi32, #tpu.memory_space<vmem>>
    %dma_wait3A_54 = tpu.memref_squeeze %dma_wait3A_53 : memref<1x128xi32, #tpu.memory_space<vmem>> -> memref<128xi32, #tpu.memory_space<vmem>>
    %dma_wait3A_55 = arith.constant 0 : i32
    %dma_wait3A_56 = arith.constant 0 : i32
    %dma_wait3A_57 = tpu.memref_slice %arg2[%dma_wait3A_55, %dma_wait3A_56] : memref<100000x128xf32, #tpu.memory_space<hbm>> -> memref<100000x128xf32, #tpu.memory_space<hbm>>
    tpu.wait_indirect_dma semaphore(%arg12 : memref<!tpu.dma_semaphore, #tpu.memory_space<semaphore_mem>>) src(%dma_wait3A_57 : memref<100000x128xf32, #tpu.memory_space<hbm>>) dst(%arg7 : memref<128x128xf32, #tpu.memory_space<vmem>>)
    %add3A_58 = arith.constant 128 : i32
    %add3A_59 = arith.addi %mul3A_2, %add3A_58 : i32
    %dma_start3A_60 = arith.constant 0 : i32
    %dma_start3A_61 = tpu.memref_slice %arg4[%add3A_59, %dma_start3A_60] : memref<819200x128xf32, #tpu.memory_space<hbm>> -> memref<128x128xf32, #tpu.memory_space<hbm>>
    %dma_start3A_62 = arith.constant 0 : i32
    %dma_start3A_63 = tpu.memref_slice %arg4[%add3A_59, %dma_start3A_62] : memref<819200x128xf32, #tpu.memory_space<hbm>> -> memref<128x128xf32, #tpu.memory_space<hbm>>
    tpu.enqueue_dma source(%arg7 : memref<128x128xf32, #tpu.memory_space<vmem>>) target(%dma_start3A_63 : memref<128x128xf32, #tpu.memory_space<hbm>>) target_semaphore(%arg17 : memref<!tpu.dma_semaphore, #tpu.memory_space<semaphore_mem>>)
    %dma_wait3A_64 = arith.constant 0 : i32
    %dma_wait3A_65 = tpu.memref_slice %arg4[%mul3A_2, %dma_wait3A_64] : memref<819200x128xf32, #tpu.memory_space<hbm>> -> memref<128x128xf32, #tpu.memory_space<hbm>>
    %dma_wait3A_66 = arith.constant 0 : i32
    %dma_wait3A_67 = tpu.memref_slice %arg4[%mul3A_2, %dma_wait3A_66] : memref<819200x128xf32, #tpu.memory_space<hbm>> -> memref<128x128xf32, #tpu.memory_space<hbm>>
    tpu.wait_dma2 semaphore(%arg16 : memref<!tpu.dma_semaphore, #tpu.memory_space<semaphore_mem>>) src(%arg6 : memref<128x128xf32, #tpu.memory_space<vmem>>) dst(%dma_wait3A_67 : memref<128x128xf32, #tpu.memory_space<hbm>>)
    %dma_start3A_68 = arith.constant 5 : i32
    %dma_start3A_69 = arith.constant 0 : i32
    %dma_start3A_70 = tpu.memref_slice %arg5[%dma_start3A_68, %dma_start3A_69] : memref<200x128xi32, #tpu.memory_space<vmem>> -> memref<1x128xi32, #tpu.memory_space<vmem>>
    %dma_start3A_71 = tpu.memref_squeeze %dma_start3A_70 : memref<1x128xi32, #tpu.memory_space<vmem>> -> memref<128xi32, #tpu.memory_space<vmem>>
    %dma_start3A_72 = arith.constant 0 : i32
    %dma_start3A_73 = arith.constant 0 : i32
    %dma_start3A_74 = tpu.memref_slice %arg2[%dma_start3A_72, %dma_start3A_73] : memref<100000x128xf32, #tpu.memory_space<hbm>> -> memref<100000x128xf32, #tpu.memory_space<hbm>>
    tpu.enqueue_indirect_dma source(%dma_start3A_74 : memref<100000x128xf32, #tpu.memory_space<hbm>>) target(%arg6 : memref<128x128xf32, #tpu.memory_space<vmem>>) offsets(%dma_start3A_71 : memref<128xi32, #tpu.memory_space<vmem>>) semaphore(%arg11 : memref<!tpu.dma_semaphore, #tpu.memory_space<semaphore_mem>>)
    %dma_wait3A_75 = arith.constant 0 : i32
    %dma_wait3A_76 = arith.constant 0 : i32
    %dma_wait3A_77 = tpu.memref_slice %arg5[%dma_wait3A_75, %dma_wait3A_76] : memref<200x128xi32, #tpu.memory_space<vmem>> -> memref<1x128xi32, #tpu.memory_space<vmem>>
    %dma_wait3A_78 = tpu.memref_squeeze %dma_wait3A_77 : memref<1x128xi32, #tpu.memory_space<vmem>> -> memref<128xi32, #tpu.memory_space<vmem>>
    %dma_wait3A_79 = arith.constant 0 : i32
    %dma_wait3A_80 = arith.constant 0 : i32
    %dma_wait3A_81 = tpu.memref_slice %arg2[%dma_wait3A_79, %dma_wait3A_80] : memref<100000x128xf32, #tpu.memory_space<hbm>> -> memref<100000x128xf32, #tpu.memory_space<hbm>>
    tpu.wait_indirect_dma semaphore(%arg13 : memref<!tpu.dma_semaphore, #tpu.memory_space<semaphore_mem>>) src(%dma_wait3A_81 : memref<100000x128xf32, #tpu.memory_space<hbm>>) dst(%arg8 : memref<128x128xf32, #tpu.memory_space<vmem>>)
    %add3A_82 = arith.constant 256 : i32
    %add3A_83 = arith.addi %mul3A_2, %add3A_82 : i32
    %dma_start3A_84 = arith.constant 0 : i32
    %dma_start3A_85 = tpu.memref_slice %arg4[%add3A_83, %dma_start3A_84] : memref<819200x128xf32, #tpu.memory_space<hbm>> -> memref<128x128xf32, #tpu.memory_space<hbm>>
    %dma_start3A_86 = arith.constant 0 : i32
    %dma_start3A_87 = tpu.memref_slice %arg4[%add3A_83, %dma_start3A_86] : memref<819200x128xf32, #tpu.memory_space<hbm>> -> memref<128x128xf32, #tpu.memory_space<hbm>>
    tpu.enqueue_dma source(%arg8 : memref<128x128xf32, #tpu.memory_space<vmem>>) target(%dma_start3A_87 : memref<128x128xf32, #tpu.memory_space<hbm>>) target_semaphore(%arg18 : memref<!tpu.dma_semaphore, #tpu.memory_space<semaphore_mem>>)
    %dma_wait3A_88 = arith.constant 0 : i32
    %dma_wait3A_89 = tpu.memref_slice %arg4[%mul3A_2, %dma_wait3A_88] : memref<819200x128xf32, #tpu.memory_space<hbm>> -> memref<128x128xf32, #tpu.memory_space<hbm>>
    %dma_wait3A_90 = arith.constant 0 : i32
    %dma_wait3A_91 = tpu.memref_slice %arg4[%mul3A_2, %dma_wait3A_90] : memref<819200x128xf32, #tpu.memory_space<hbm>> -> memref<128x128xf32, #tpu.memory_space<hbm>>
    tpu.wait_dma2 semaphore(%arg17 : memref<!tpu.dma_semaphore, #tpu.memory_space<semaphore_mem>>) src(%arg7 : memref<128x128xf32, #tpu.memory_space<vmem>>) dst(%dma_wait3A_91 : memref<128x128xf32, #tpu.memory_space<hbm>>)
    %dma_start3A_92 = arith.constant 6 : i32
    %dma_start3A_93 = arith.constant 0 : i32
    %dma_start3A_94 = tpu.memref_slice %arg5[%dma_start3A_92, %dma_start3A_93] : memref<200x128xi32, #tpu.memory_space<vmem>> -> memref<1x128xi32, #tpu.memory_space<vmem>>
    %dma_start3A_95 = tpu.memref_squeeze %dma_start3A_94 : memref<1x128xi32, #tpu.memory_space<vmem>> -> memref<128xi32, #tpu.memory_space<vmem>>
    %dma_start3A_96 = arith.constant 0 : i32
    %dma_start3A_97 = arith.constant 0 : i32
    %dma_start3A_98 = tpu.memref_slice %arg2[%dma_start3A_96, %dma_start3A_97] : memref<100000x128xf32, #tpu.memory_space<hbm>> -> memref<100000x128xf32, #tpu.memory_space<hbm>>
    tpu.enqueue_indirect_dma source(%dma_start3A_98 : memref<100000x128xf32, #tpu.memory_space<hbm>>) target(%arg7 : memref<128x128xf32, #tpu.memory_space<vmem>>) offsets(%dma_start3A_95 : memref<128xi32, #tpu.memory_space<vmem>>) semaphore(%arg12 : memref<!tpu.dma_semaphore, #tpu.memory_space<semaphore_mem>>)
    %dma_wait3A_99 = arith.constant 0 : i32
    %dma_wait3A_100 = arith.constant 0 : i32
    %dma_wait3A_101 = tpu.memref_slice %arg5[%dma_wait3A_99, %dma_wait3A_100] : memref<200x128xi32, #tpu.memory_space<vmem>> -> memref<1x128xi32, #tpu.memory_space<vmem>>
    %dma_wait3A_102 = tpu.memref_squeeze %dma_wait3A_101 : memref<1x128xi32, #tpu.memory_space<vmem>> -> memref<128xi32, #tpu.memory_space<vmem>>
    %dma_wait3A_103 = arith.constant 0 : i32
    %dma_wait3A_104 = arith.constant 0 : i32
    %dma_wait3A_105 = tpu.memref_slice %arg2[%dma_wait3A_103, %dma_wait3A_104] : memref<100000x128xf32, #tpu.memory_space<hbm>> -> memref<100000x128xf32, #tpu.memory_space<hbm>>
    tpu.wait_indirect_dma semaphore(%arg14 : memref<!tpu.dma_semaphore, #tpu.memory_space<semaphore_mem>>) src(%dma_wait3A_105 : memref<100000x128xf32, #tpu.memory_space<hbm>>) dst(%arg9 : memref<128x128xf32, #tpu.memory_space<vmem>>)
    %add3A_106 = arith.constant 384 : i32
    %add3A_107 = arith.addi %mul3A_2, %add3A_106 : i32
    %dma_start3A_108 = arith.constant 0 : i32
    %dma_start3A_109 = tpu.memref_slice %arg4[%add3A_107, %dma_start3A_108] : memref<819200x128xf32, #tpu.memory_space<hbm>> -> memref<128x128xf32, #tpu.memory_space<hbm>>
    %dma_start3A_110 = arith.constant 0 : i32
    %dma_start3A_111 = tpu.memref_slice %arg4[%add3A_107, %dma_start3A_110] : memref<819200x128xf32, #tpu.memory_space<hbm>> -> memref<128x128xf32, #tpu.memory_space<hbm>>
    tpu.enqueue_dma source(%arg9 : memref<128x128xf32, #tpu.memory_space<vmem>>) target(%dma_start3A_111 : memref<128x128xf32, #tpu.memory_space<hbm>>) target_semaphore(%arg19 : memref<!tpu.dma_semaphore, #tpu.memory_space<semaphore_mem>>)
    %dma_wait3A_112 = arith.constant 0 : i32
    %dma_wait3A_113 = tpu.memref_slice %arg4[%mul3A_2, %dma_wait3A_112] : memref<819200x128xf32, #tpu.memory_space<hbm>> -> memref<128x128xf32, #tpu.memory_space<hbm>>
    %dma_wait3A_114 = arith.constant 0 : i32
    %dma_wait3A_115 = tpu.memref_slice %arg4[%mul3A_2, %dma_wait3A_114] : memref<819200x128xf32, #tpu.memory_space<hbm>> -> memref<128x128xf32, #tpu.memory_space<hbm>>
    tpu.wait_dma2 semaphore(%arg18 : memref<!tpu.dma_semaphore, #tpu.memory_space<semaphore_mem>>) src(%arg8 : memref<128x128xf32, #tpu.memory_space<vmem>>) dst(%dma_wait3A_115 : memref<128x128xf32, #tpu.memory_space<hbm>>)
    %dma_start3A_116 = arith.constant 7 : i32
    %dma_start3A_117 = arith.constant 0 : i32
    %dma_start3A_118 = tpu.memref_slice %arg5[%dma_start3A_116, %dma_start3A_117] : memref<200x128xi32, #tpu.memory_space<vmem>> -> memref<1x128xi32, #tpu.memory_space<vmem>>
    %dma_start3A_119 = tpu.memref_squeeze %dma_start3A_118 : memref<1x128xi32, #tpu.memory_space<vmem>> -> memref<128xi32, #tpu.memory_space<vmem>>
    %dma_start3A_120 = arith.constant 0 : i32
    %dma_start3A_121 = arith.constant 0 : i32
    %dma_start3A_122 = tpu.memref_slice %arg2[%dma_start3A_120, %dma_start3A_121] : memref<100000x128xf32, #tpu.memory_space<hbm>> -> memref<100000x128xf32, #tpu.memory_space<hbm>>
    tpu.enqueue_indirect_dma source(%dma_start3A_122 : memref<100000x128xf32, #tpu.memory_space<hbm>>) target(%arg8 : memref<128x128xf32, #tpu.memory_space<vmem>>) offsets(%dma_start3A_119 : memref<128xi32, #tpu.memory_space<vmem>>) semaphore(%arg13 : memref<!tpu.dma_semaphore, #tpu.memory_space<semaphore_mem>>)
    %dma_wait3A_123 = arith.constant 0 : i32
    %dma_wait3A_124 = arith.constant 0 : i32
    %dma_wait3A_125 = tpu.memref_slice %arg5[%dma_wait3A_123, %dma_wait3A_124] : memref<200x128xi32, #tpu.memory_space<vmem>> -> memref<1x128xi32, #tpu.memory_space<vmem>>
    %dma_wait3A_126 = tpu.memref_squeeze %dma_wait3A_125 : memref<1x128xi32, #tpu.memory_space<vmem>> -> memref<128xi32, #tpu.memory_space<vmem>>
    %dma_wait3A_127 = arith.constant 0 : i32
    %dma_wait3A_128 = arith.constant 0 : i32
    %dma_wait3A_129 = tpu.memref_slice %arg2[%dma_wait3A_127, %dma_wait3A_128] : memref<100000x128xf32, #tpu.memory_space<hbm>> -> memref<100000x128xf32, #tpu.memory_space<hbm>>
    tpu.wait_indirect_dma semaphore(%arg15 : memref<!tpu.dma_semaphore, #tpu.memory_space<semaphore_mem>>) src(%dma_wait3A_129 : memref<100000x128xf32, #tpu.memory_space<hbm>>) dst(%arg10 : memref<128x128xf32, #tpu.memory_space<vmem>>)
    %add3A_130 = arith.constant 512 : i32
    %add3A_131 = arith.addi %mul3A_2, %add3A_130 : i32
    %dma_start3A_132 = arith.constant 0 : i32
    %dma_start3A_133 = tpu.memref_slice %arg4[%add3A_131, %dma_start3A_132] : memref<819200x128xf32, #tpu.memory_space<hbm>> -> memref<128x128xf32, #tpu.memory_space<hbm>>
    %dma_start3A_134 = arith.constant 0 : i32
    %dma_start3A_135 = tpu.memref_slice %arg4[%add3A_131, %dma_start3A_134] : memref<819200x128xf32, #tpu.memory_space<hbm>> -> memref<128x128xf32, #tpu.memory_space<hbm>>
    tpu.enqueue_dma source(%arg10 : memref<128x128xf32, #tpu.memory_space<vmem>>) target(%dma_start3A_135 : memref<128x128xf32, #tpu.memory_space<hbm>>) target_semaphore(%arg20 : memref<!tpu.dma_semaphore, #tpu.memory_space<semaphore_mem>>)
    %scan3A = arith.constant 0 : i32
    %scan3A_136 = arith.constant 38 : i32
    %scan3A_137 = arith.addi %scan3A, %scan3A_136 : i32
    %scan3A_138 = arith.constant 1 : i32
    scf.for %scan3A_247 = %scan3A to %scan3A_137 step %scan3A_138  : i32 {
      %mul3A_248 = arith.constant 1 : i32
      %mul3A_249 = arith.muli %scan3A_247, %mul3A_248 : i32
      %add3A_250 = arith.constant 1 : i32
      %add3A_251 = arith.addi %add3A_250, %mul3A_249 : i32
      %mul3A_252 = arith.constant 5 : i32
      %mul3A_253 = arith.muli %add3A_251, %mul3A_252 : i32
      %dma_wait3A_254 = arith.constant 0 : i32
      %dma_wait3A_255 = tpu.memref_slice %arg4[%mul3A_2, %dma_wait3A_254] : memref<819200x128xf32, #tpu.memory_space<hbm>> -> memref<128x128xf32, #tpu.memory_space<hbm>>
      %dma_wait3A_256 = arith.constant 0 : i32
      %dma_wait3A_257 = tpu.memref_slice %arg4[%mul3A_2, %dma_wait3A_256] : memref<819200x128xf32, #tpu.memory_space<hbm>> -> memref<128x128xf32, #tpu.memory_space<hbm>>
      tpu.wait_dma2 semaphore(%arg19 : memref<!tpu.dma_semaphore, #tpu.memory_space<semaphore_mem>>) src(%arg9 : memref<128x128xf32, #tpu.memory_space<vmem>>) dst(%dma_wait3A_257 : memref<128x128xf32, #tpu.memory_space<hbm>>)
      %add3A_258 = arith.constant 0 : i32
      %add3A_259 = arith.addi %mul3A_253, %add3A_258 : i32
      %add3A_260 = arith.constant 3 : i32
      %add3A_261 = arith.addi %add3A_259, %add3A_260 : i32
      %dma_start3A_262 = arith.constant 0 : i32
      %dma_start3A_263 = tpu.memref_slice %arg5[%add3A_261, %dma_start3A_262] : memref<200x128xi32, #tpu.memory_space<vmem>> -> memref<1x128xi32, #tpu.memory_space<vmem>>
      %dma_start3A_264 = tpu.memref_squeeze %dma_start3A_263 : memref<1x128xi32, #tpu.memory_space<vmem>> -> memref<128xi32, #tpu.memory_space<vmem>>
      %dma_start3A_265 = arith.constant 0 : i32
      %dma_start3A_266 = arith.constant 0 : i32
      %dma_start3A_267 = tpu.memref_slice %arg2[%dma_start3A_265, %dma_start3A_266] : memref<100000x128xf32, #tpu.memory_space<hbm>> -> memref<100000x128xf32, #tpu.memory_space<hbm>>
      tpu.enqueue_indirect_dma source(%dma_start3A_267 : memref<100000x128xf32, #tpu.memory_space<hbm>>) target(%arg9 : memref<128x128xf32, #tpu.memory_space<vmem>>) offsets(%dma_start3A_264 : memref<128xi32, #tpu.memory_space<vmem>>) semaphore(%arg14 : memref<!tpu.dma_semaphore, #tpu.memory_space<semaphore_mem>>)
      %dma_wait3A_268 = arith.constant 0 : i32
      %dma_wait3A_269 = arith.constant 0 : i32
      %dma_wait3A_270 = tpu.memref_slice %arg5[%dma_wait3A_268, %dma_wait3A_269] : memref<200x128xi32, #tpu.memory_space<vmem>> -> memref<1x128xi32, #tpu.memory_space<vmem>>
      %dma_wait3A_271 = tpu.memref_squeeze %dma_wait3A_270 : memref<1x128xi32, #tpu.memory_space<vmem>> -> memref<128xi32, #tpu.memory_space<vmem>>
      %dma_wait3A_272 = arith.constant 0 : i32
      %dma_wait3A_273 = arith.constant 0 : i32
      %dma_wait3A_274 = tpu.memref_slice %arg2[%dma_wait3A_272, %dma_wait3A_273] : memref<100000x128xf32, #tpu.memory_space<hbm>> -> memref<100000x128xf32, #tpu.memory_space<hbm>>
      tpu.wait_indirect_dma semaphore(%arg11 : memref<!tpu.dma_semaphore, #tpu.memory_space<semaphore_mem>>) src(%dma_wait3A_274 : memref<100000x128xf32, #tpu.memory_space<hbm>>) dst(%arg6 : memref<128x128xf32, #tpu.memory_space<vmem>>)
      %add3A_275 = arith.constant 0 : i32
      %add3A_276 = arith.addi %mul3A_253, %add3A_275 : i32
      %mul3A_277 = arith.constant 128 : i32
      %mul3A_278 = arith.muli %add3A_276, %mul3A_277 : i32
      %add3A_279 = arith.addi %mul3A_2, %mul3A_278 : i32
      %dma_start3A_280 = arith.constant 0 : i32
      %dma_start3A_281 = tpu.memref_slice %arg4[%add3A_279, %dma_start3A_280] : memref<819200x128xf32, #tpu.memory_space<hbm>> -> memref<128x128xf32, #tpu.memory_space<hbm>>
      %dma_start3A_282 = arith.constant 0 : i32
      %dma_start3A_283 = tpu.memref_slice %arg4[%add3A_279, %dma_start3A_282] : memref<819200x128xf32, #tpu.memory_space<hbm>> -> memref<128x128xf32, #tpu.memory_space<hbm>>
      tpu.enqueue_dma source(%arg6 : memref<128x128xf32, #tpu.memory_space<vmem>>) target(%dma_start3A_283 : memref<128x128xf32, #tpu.memory_space<hbm>>) target_semaphore(%arg16 : memref<!tpu.dma_semaphore, #tpu.memory_space<semaphore_mem>>)
      %dma_wait3A_284 = arith.constant 0 : i32
      %dma_wait3A_285 = tpu.memref_slice %arg4[%mul3A_2, %dma_wait3A_284] : memref<819200x128xf32, #tpu.memory_space<hbm>> -> memref<128x128xf32, #tpu.memory_space<hbm>>
      %dma_wait3A_286 = arith.constant 0 : i32
      %dma_wait3A_287 = tpu.memref_slice %arg4[%mul3A_2, %dma_wait3A_286] : memref<819200x128xf32, #tpu.memory_space<hbm>> -> memref<128x128xf32, #tpu.memory_space<hbm>>
      tpu.wait_dma2 semaphore(%arg20 : memref<!tpu.dma_semaphore, #tpu.memory_space<semaphore_mem>>) src(%arg10 : memref<128x128xf32, #tpu.memory_space<vmem>>) dst(%dma_wait3A_287 : memref<128x128xf32, #tpu.memory_space<hbm>>)
      %add3A_288 = arith.constant 1 : i32
      %add3A_289 = arith.addi %mul3A_253, %add3A_288 : i32
      %add3A_290 = arith.constant 3 : i32
      %add3A_291 = arith.addi %add3A_289, %add3A_290 : i32
      %dma_start3A_292 = arith.constant 0 : i32
      %dma_start3A_293 = tpu.memref_slice %arg5[%add3A_291, %dma_start3A_292] : memref<200x128xi32, #tpu.memory_space<vmem>> -> memref<1x128xi32, #tpu.memory_space<vmem>>
      %dma_start3A_294 = tpu.memref_squeeze %dma_start3A_293 : memref<1x128xi32, #tpu.memory_space<vmem>> -> memref<128xi32, #tpu.memory_space<vmem>>
      %dma_start3A_295 = arith.constant 0 : i32
      %dma_start3A_296 = arith.constant 0 : i32
      %dma_start3A_297 = tpu.memref_slice %arg2[%dma_start3A_295, %dma_start3A_296] : memref<100000x128xf32, #tpu.memory_space<hbm>> -> memref<100000x128xf32, #tpu.memory_space<hbm>>
      tpu.enqueue_indirect_dma source(%dma_start3A_297 : memref<100000x128xf32, #tpu.memory_space<hbm>>) target(%arg10 : memref<128x128xf32, #tpu.memory_space<vmem>>) offsets(%dma_start3A_294 : memref<128xi32, #tpu.memory_space<vmem>>) semaphore(%arg15 : memref<!tpu.dma_semaphore, #tpu.memory_space<semaphore_mem>>)
      %dma_wait3A_298 = arith.constant 0 : i32
      %dma_wait3A_299 = arith.constant 0 : i32
      %dma_wait3A_300 = tpu.memref_slice %arg5[%dma_wait3A_298, %dma_wait3A_299] : memref<200x128xi32, #tpu.memory_space<vmem>> -> memref<1x128xi32, #tpu.memory_space<vmem>>
      %dma_wait3A_301 = tpu.memref_squeeze %dma_wait3A_300 : memref<1x128xi32, #tpu.memory_space<vmem>> -> memref<128xi32, #tpu.memory_space<vmem>>
      %dma_wait3A_302 = arith.constant 0 : i32
      %dma_wait3A_303 = arith.constant 0 : i32
      %dma_wait3A_304 = tpu.memref_slice %arg2[%dma_wait3A_302, %dma_wait3A_303] : memref<100000x128xf32, #tpu.memory_space<hbm>> -> memref<100000x128xf32, #tpu.memory_space<hbm>>
      tpu.wait_indirect_dma semaphore(%arg12 : memref<!tpu.dma_semaphore, #tpu.memory_space<semaphore_mem>>) src(%dma_wait3A_304 : memref<100000x128xf32, #tpu.memory_space<hbm>>) dst(%arg7 : memref<128x128xf32, #tpu.memory_space<vmem>>)
      %add3A_305 = arith.constant 1 : i32
      %add3A_306 = arith.addi %mul3A_253, %add3A_305 : i32
      %mul3A_307 = arith.constant 128 : i32
      %mul3A_308 = arith.muli %add3A_306, %mul3A_307 : i32
      %add3A_309 = arith.addi %mul3A_2, %mul3A_308 : i32
      %dma_start3A_310 = arith.constant 0 : i32
      %dma_start3A_311 = tpu.memref_slice %arg4[%add3A_309, %dma_start3A_310] : memref<819200x128xf32, #tpu.memory_space<hbm>> -> memref<128x128xf32, #tpu.memory_space<hbm>>
      %dma_start3A_312 = arith.constant 0 : i32
      %dma_start3A_313 = tpu.memref_slice %arg4[%add3A_309, %dma_start3A_312] : memref<819200x128xf32, #tpu.memory_space<hbm>> -> memref<128x128xf32, #tpu.memory_space<hbm>>
      tpu.enqueue_dma source(%arg7 : memref<128x128xf32, #tpu.memory_space<vmem>>) target(%dma_start3A_313 : memref<128x128xf32, #tpu.memory_space<hbm>>) target_semaphore(%arg17 : memref<!tpu.dma_semaphore, #tpu.memory_space<semaphore_mem>>)
      %dma_wait3A_314 = arith.constant 0 : i32
      %dma_wait3A_315 = tpu.memref_slice %arg4[%mul3A_2, %dma_wait3A_314] : memref<819200x128xf32, #tpu.memory_space<hbm>> -> memref<128x128xf32, #tpu.memory_space<hbm>>
      %dma_wait3A_316 = arith.constant 0 : i32
      %dma_wait3A_317 = tpu.memref_slice %arg4[%mul3A_2, %dma_wait3A_316] : memref<819200x128xf32, #tpu.memory_space<hbm>> -> memref<128x128xf32, #tpu.memory_space<hbm>>
      tpu.wait_dma2 semaphore(%arg16 : memref<!tpu.dma_semaphore, #tpu.memory_space<semaphore_mem>>) src(%arg6 : memref<128x128xf32, #tpu.memory_space<vmem>>) dst(%dma_wait3A_317 : memref<128x128xf32, #tpu.memory_space<hbm>>)
      %add3A_318 = arith.constant 2 : i32
      %add3A_319 = arith.addi %mul3A_253, %add3A_318 : i32
      %add3A_320 = arith.constant 3 : i32
      %add3A_321 = arith.addi %add3A_319, %add3A_320 : i32
      %dma_start3A_322 = arith.constant 0 : i32
      %dma_start3A_323 = tpu.memref_slice %arg5[%add3A_321, %dma_start3A_322] : memref<200x128xi32, #tpu.memory_space<vmem>> -> memref<1x128xi32, #tpu.memory_space<vmem>>
      %dma_start3A_324 = tpu.memref_squeeze %dma_start3A_323 : memref<1x128xi32, #tpu.memory_space<vmem>> -> memref<128xi32, #tpu.memory_space<vmem>>
      %dma_start3A_325 = arith.constant 0 : i32
      %dma_start3A_326 = arith.constant 0 : i32
      %dma_start3A_327 = tpu.memref_slice %arg2[%dma_start3A_325, %dma_start3A_326] : memref<100000x128xf32, #tpu.memory_space<hbm>> -> memref<100000x128xf32, #tpu.memory_space<hbm>>
      tpu.enqueue_indirect_dma source(%dma_start3A_327 : memref<100000x128xf32, #tpu.memory_space<hbm>>) target(%arg6 : memref<128x128xf32, #tpu.memory_space<vmem>>) offsets(%dma_start3A_324 : memref<128xi32, #tpu.memory_space<vmem>>) semaphore(%arg11 : memref<!tpu.dma_semaphore, #tpu.memory_space<semaphore_mem>>)
      %dma_wait3A_328 = arith.constant 0 : i32
      %dma_wait3A_329 = arith.constant 0 : i32
      %dma_wait3A_330 = tpu.memref_slice %arg5[%dma_wait3A_328, %dma_wait3A_329] : memref<200x128xi32, #tpu.memory_space<vmem>> -> memref<1x128xi32, #tpu.memory_space<vmem>>
      %dma_wait3A_331 = tpu.memref_squeeze %dma_wait3A_330 : memref<1x128xi32, #tpu.memory_space<vmem>> -> memref<128xi32, #tpu.memory_space<vmem>>
      %dma_wait3A_332 = arith.constant 0 : i32
      %dma_wait3A_333 = arith.constant 0 : i32
      %dma_wait3A_334 = tpu.memref_slice %arg2[%dma_wait3A_332, %dma_wait3A_333] : memref<100000x128xf32, #tpu.memory_space<hbm>> -> memref<100000x128xf32, #tpu.memory_space<hbm>>
      tpu.wait_indirect_dma semaphore(%arg13 : memref<!tpu.dma_semaphore, #tpu.memory_space<semaphore_mem>>) src(%dma_wait3A_334 : memref<100000x128xf32, #tpu.memory_space<hbm>>) dst(%arg8 : memref<128x128xf32, #tpu.memory_space<vmem>>)
      %add3A_335 = arith.constant 2 : i32
      %add3A_336 = arith.addi %mul3A_253, %add3A_335 : i32
      %mul3A_337 = arith.constant 128 : i32
      %mul3A_338 = arith.muli %add3A_336, %mul3A_337 : i32
      %add3A_339 = arith.addi %mul3A_2, %mul3A_338 : i32
      %dma_start3A_340 = arith.constant 0 : i32
      %dma_start3A_341 = tpu.memref_slice %arg4[%add3A_339, %dma_start3A_340] : memref<819200x128xf32, #tpu.memory_space<hbm>> -> memref<128x128xf32, #tpu.memory_space<hbm>>
      %dma_start3A_342 = arith.constant 0 : i32
      %dma_start3A_343 = tpu.memref_slice %arg4[%add3A_339, %dma_start3A_342] : memref<819200x128xf32, #tpu.memory_space<hbm>> -> memref<128x128xf32, #tpu.memory_space<hbm>>
      tpu.enqueue_dma source(%arg8 : memref<128x128xf32, #tpu.memory_space<vmem>>) target(%dma_start3A_343 : memref<128x128xf32, #tpu.memory_space<hbm>>) target_semaphore(%arg18 : memref<!tpu.dma_semaphore, #tpu.memory_space<semaphore_mem>>)
      %dma_wait3A_344 = arith.constant 0 : i32
      %dma_wait3A_345 = tpu.memref_slice %arg4[%mul3A_2, %dma_wait3A_344] : memref<819200x128xf32, #tpu.memory_space<hbm>> -> memref<128x128xf32, #tpu.memory_space<hbm>>
      %dma_wait3A_346 = arith.constant 0 : i32
      %dma_wait3A_347 = tpu.memref_slice %arg4[%mul3A_2, %dma_wait3A_346] : memref<819200x128xf32, #tpu.memory_space<hbm>> -> memref<128x128xf32, #tpu.memory_space<hbm>>
      tpu.wait_dma2 semaphore(%arg17 : memref<!tpu.dma_semaphore, #tpu.memory_space<semaphore_mem>>) src(%arg7 : memref<128x128xf32, #tpu.memory_space<vmem>>) dst(%dma_wait3A_347 : memref<128x128xf32, #tpu.memory_space<hbm>>)
      %add3A_348 = arith.constant 3 : i32
      %add3A_349 = arith.addi %mul3A_253, %add3A_348 : i32
      %add3A_350 = arith.constant 3 : i32
      %add3A_351 = arith.addi %add3A_349, %add3A_350 : i32
      %dma_start3A_352 = arith.constant 0 : i32
      %dma_start3A_353 = tpu.memref_slice %arg5[%add3A_351, %dma_start3A_352] : memref<200x128xi32, #tpu.memory_space<vmem>> -> memref<1x128xi32, #tpu.memory_space<vmem>>
      %dma_start3A_354 = tpu.memref_squeeze %dma_start3A_353 : memref<1x128xi32, #tpu.memory_space<vmem>> -> memref<128xi32, #tpu.memory_space<vmem>>
      %dma_start3A_355 = arith.constant 0 : i32
      %dma_start3A_356 = arith.constant 0 : i32
      %dma_start3A_357 = tpu.memref_slice %arg2[%dma_start3A_355, %dma_start3A_356] : memref<100000x128xf32, #tpu.memory_space<hbm>> -> memref<100000x128xf32, #tpu.memory_space<hbm>>
      tpu.enqueue_indirect_dma source(%dma_start3A_357 : memref<100000x128xf32, #tpu.memory_space<hbm>>) target(%arg7 : memref<128x128xf32, #tpu.memory_space<vmem>>) offsets(%dma_start3A_354 : memref<128xi32, #tpu.memory_space<vmem>>) semaphore(%arg12 : memref<!tpu.dma_semaphore, #tpu.memory_space<semaphore_mem>>)
      %dma_wait3A_358 = arith.constant 0 : i32
      %dma_wait3A_359 = arith.constant 0 : i32
      %dma_wait3A_360 = tpu.memref_slice %arg5[%dma_wait3A_358, %dma_wait3A_359] : memref<200x128xi32, #tpu.memory_space<vmem>> -> memref<1x128xi32, #tpu.memory_space<vmem>>
      %dma_wait3A_361 = tpu.memref_squeeze %dma_wait3A_360 : memref<1x128xi32, #tpu.memory_space<vmem>> -> memref<128xi32, #tpu.memory_space<vmem>>
      %dma_wait3A_362 = arith.constant 0 : i32
      %dma_wait3A_363 = arith.constant 0 : i32
      %dma_wait3A_364 = tpu.memref_slice %arg2[%dma_wait3A_362, %dma_wait3A_363] : memref<100000x128xf32, #tpu.memory_space<hbm>> -> memref<100000x128xf32, #tpu.memory_space<hbm>>
      tpu.wait_indirect_dma semaphore(%arg14 : memref<!tpu.dma_semaphore, #tpu.memory_space<semaphore_mem>>) src(%dma_wait3A_364 : memref<100000x128xf32, #tpu.memory_space<hbm>>) dst(%arg9 : memref<128x128xf32, #tpu.memory_space<vmem>>)
      %add3A_365 = arith.constant 3 : i32
      %add3A_366 = arith.addi %mul3A_253, %add3A_365 : i32
      %mul3A_367 = arith.constant 128 : i32
      %mul3A_368 = arith.muli %add3A_366, %mul3A_367 : i32
      %add3A_369 = arith.addi %mul3A_2, %mul3A_368 : i32
      %dma_start3A_370 = arith.constant 0 : i32
      %dma_start3A_371 = tpu.memref_slice %arg4[%add3A_369, %dma_start3A_370] : memref<819200x128xf32, #tpu.memory_space<hbm>> -> memref<128x128xf32, #tpu.memory_space<hbm>>
      %dma_start3A_372 = arith.constant 0 : i32
      %dma_start3A_373 = tpu.memref_slice %arg4[%add3A_369, %dma_start3A_372] : memref<819200x128xf32, #tpu.memory_space<hbm>> -> memref<128x128xf32, #tpu.memory_space<hbm>>
      tpu.enqueue_dma source(%arg9 : memref<128x128xf32, #tpu.memory_space<vmem>>) target(%dma_start3A_373 : memref<128x128xf32, #tpu.memory_space<hbm>>) target_semaphore(%arg19 : memref<!tpu.dma_semaphore, #tpu.memory_space<semaphore_mem>>)
      %dma_wait3A_374 = arith.constant 0 : i32
      %dma_wait3A_375 = tpu.memref_slice %arg4[%mul3A_2, %dma_wait3A_374] : memref<819200x128xf32, #tpu.memory_space<hbm>> -> memref<128x128xf32, #tpu.memory_space<hbm>>
      %dma_wait3A_376 = arith.constant 0 : i32
      %dma_wait3A_377 = tpu.memref_slice %arg4[%mul3A_2, %dma_wait3A_376] : memref<819200x128xf32, #tpu.memory_space<hbm>> -> memref<128x128xf32, #tpu.memory_space<hbm>>
      tpu.wait_dma2 semaphore(%arg18 : memref<!tpu.dma_semaphore, #tpu.memory_space<semaphore_mem>>) src(%arg8 : memref<128x128xf32, #tpu.memory_space<vmem>>) dst(%dma_wait3A_377 : memref<128x128xf32, #tpu.memory_space<hbm>>)
      %add3A_378 = arith.constant 4 : i32
      %add3A_379 = arith.addi %mul3A_253, %add3A_378 : i32
      %add3A_380 = arith.constant 3 : i32
      %add3A_381 = arith.addi %add3A_379, %add3A_380 : i32
      %dma_start3A_382 = arith.constant 0 : i32
      %dma_start3A_383 = tpu.memref_slice %arg5[%add3A_381, %dma_start3A_382] : memref<200x128xi32, #tpu.memory_space<vmem>> -> memref<1x128xi32, #tpu.memory_space<vmem>>
      %dma_start3A_384 = tpu.memref_squeeze %dma_start3A_383 : memref<1x128xi32, #tpu.memory_space<vmem>> -> memref<128xi32, #tpu.memory_space<vmem>>
      %dma_start3A_385 = arith.constant 0 : i32
      %dma_start3A_386 = arith.constant 0 : i32
      %dma_start3A_387 = tpu.memref_slice %arg2[%dma_start3A_385, %dma_start3A_386] : memref<100000x128xf32, #tpu.memory_space<hbm>> -> memref<100000x128xf32, #tpu.memory_space<hbm>>
      tpu.enqueue_indirect_dma source(%dma_start3A_387 : memref<100000x128xf32, #tpu.memory_space<hbm>>) target(%arg8 : memref<128x128xf32, #tpu.memory_space<vmem>>) offsets(%dma_start3A_384 : memref<128xi32, #tpu.memory_space<vmem>>) semaphore(%arg13 : memref<!tpu.dma_semaphore, #tpu.memory_space<semaphore_mem>>)
      %dma_wait3A_388 = arith.constant 0 : i32
      %dma_wait3A_389 = arith.constant 0 : i32
      %dma_wait3A_390 = tpu.memref_slice %arg5[%dma_wait3A_388, %dma_wait3A_389] : memref<200x128xi32, #tpu.memory_space<vmem>> -> memref<1x128xi32, #tpu.memory_space<vmem>>
      %dma_wait3A_391 = tpu.memref_squeeze %dma_wait3A_390 : memref<1x128xi32, #tpu.memory_space<vmem>> -> memref<128xi32, #tpu.memory_space<vmem>>
      %dma_wait3A_392 = arith.constant 0 : i32
      %dma_wait3A_393 = arith.constant 0 : i32
      %dma_wait3A_394 = tpu.memref_slice %arg2[%dma_wait3A_392, %dma_wait3A_393] : memref<100000x128xf32, #tpu.memory_space<hbm>> -> memref<100000x128xf32, #tpu.memory_space<hbm>>
      tpu.wait_indirect_dma semaphore(%arg15 : memref<!tpu.dma_semaphore, #tpu.memory_space<semaphore_mem>>) src(%dma_wait3A_394 : memref<100000x128xf32, #tpu.memory_space<hbm>>) dst(%arg10 : memref<128x128xf32, #tpu.memory_space<vmem>>)
      %add3A_395 = arith.constant 4 : i32
      %add3A_396 = arith.addi %mul3A_253, %add3A_395 : i32
      %mul3A_397 = arith.constant 128 : i32
      %mul3A_398 = arith.muli %add3A_396, %mul3A_397 : i32
      %add3A_399 = arith.addi %mul3A_2, %mul3A_398 : i32
      %dma_start3A_400 = arith.constant 0 : i32
      %dma_start3A_401 = tpu.memref_slice %arg4[%add3A_399, %dma_start3A_400] : memref<819200x128xf32, #tpu.memory_space<hbm>> -> memref<128x128xf32, #tpu.memory_space<hbm>>
      %dma_start3A_402 = arith.constant 0 : i32
      %dma_start3A_403 = tpu.memref_slice %arg4[%add3A_399, %dma_start3A_402] : memref<819200x128xf32, #tpu.memory_space<hbm>> -> memref<128x128xf32, #tpu.memory_space<hbm>>
      tpu.enqueue_dma source(%arg10 : memref<128x128xf32, #tpu.memory_space<vmem>>) target(%dma_start3A_403 : memref<128x128xf32, #tpu.memory_space<hbm>>) target_semaphore(%arg20 : memref<!tpu.dma_semaphore, #tpu.memory_space<semaphore_mem>>)
    }
    %scan3A_139 = arith.constant 38 : i32
    %dma_wait3A_140 = arith.constant 0 : i32
    %dma_wait3A_141 = tpu.memref_slice %arg4[%mul3A_2, %dma_wait3A_140] : memref<819200x128xf32, #tpu.memory_space<hbm>> -> memref<128x128xf32, #tpu.memory_space<hbm>>
    %dma_wait3A_142 = arith.constant 0 : i32
    %dma_wait3A_143 = tpu.memref_slice %arg4[%mul3A_2, %dma_wait3A_142] : memref<819200x128xf32, #tpu.memory_space<hbm>> -> memref<128x128xf32, #tpu.memory_space<hbm>>
    tpu.wait_dma2 semaphore(%arg19 : memref<!tpu.dma_semaphore, #tpu.memory_space<semaphore_mem>>) src(%arg9 : memref<128x128xf32, #tpu.memory_space<vmem>>) dst(%dma_wait3A_143 : memref<128x128xf32, #tpu.memory_space<hbm>>)
    %dma_start3A_144 = arith.constant 198 : i32
    %dma_start3A_145 = arith.constant 0 : i32
    %dma_start3A_146 = tpu.memref_slice %arg5[%dma_start3A_144, %dma_start3A_145] : memref<200x128xi32, #tpu.memory_space<vmem>> -> memref<1x128xi32, #tpu.memory_space<vmem>>
    %dma_start3A_147 = tpu.memref_squeeze %dma_start3A_146 : memref<1x128xi32, #tpu.memory_space<vmem>> -> memref<128xi32, #tpu.memory_space<vmem>>
    %dma_start3A_148 = arith.constant 0 : i32
    %dma_start3A_149 = arith.constant 0 : i32
    %dma_start3A_150 = tpu.memref_slice %arg2[%dma_start3A_148, %dma_start3A_149] : memref<100000x128xf32, #tpu.memory_space<hbm>> -> memref<100000x128xf32, #tpu.memory_space<hbm>>
    tpu.enqueue_indirect_dma source(%dma_start3A_150 : memref<100000x128xf32, #tpu.memory_space<hbm>>) target(%arg9 : memref<128x128xf32, #tpu.memory_space<vmem>>) offsets(%dma_start3A_147 : memref<128xi32, #tpu.memory_space<vmem>>) semaphore(%arg14 : memref<!tpu.dma_semaphore, #tpu.memory_space<semaphore_mem>>)
    %dma_wait3A_151 = arith.constant 0 : i32
    %dma_wait3A_152 = arith.constant 0 : i32
    %dma_wait3A_153 = tpu.memref_slice %arg5[%dma_wait3A_151, %dma_wait3A_152] : memref<200x128xi32, #tpu.memory_space<vmem>> -> memref<1x128xi32, #tpu.memory_space<vmem>>
    %dma_wait3A_154 = tpu.memref_squeeze %dma_wait3A_153 : memref<1x128xi32, #tpu.memory_space<vmem>> -> memref<128xi32, #tpu.memory_space<vmem>>
    %dma_wait3A_155 = arith.constant 0 : i32
    %dma_wait3A_156 = arith.constant 0 : i32
    %dma_wait3A_157 = tpu.memref_slice %arg2[%dma_wait3A_155, %dma_wait3A_156] : memref<100000x128xf32, #tpu.memory_space<hbm>> -> memref<100000x128xf32, #tpu.memory_space<hbm>>
    tpu.wait_indirect_dma semaphore(%arg11 : memref<!tpu.dma_semaphore, #tpu.memory_space<semaphore_mem>>) src(%dma_wait3A_157 : memref<100000x128xf32, #tpu.memory_space<hbm>>) dst(%arg6 : memref<128x128xf32, #tpu.memory_space<vmem>>)
    %add3A_158 = arith.constant 24960 : i32
    %add3A_159 = arith.addi %mul3A_2, %add3A_158 : i32
    %dma_start3A_160 = arith.constant 0 : i32
    %dma_start3A_161 = tpu.memref_slice %arg4[%add3A_159, %dma_start3A_160] : memref<819200x128xf32, #tpu.memory_space<hbm>> -> memref<128x128xf32, #tpu.memory_space<hbm>>
    %dma_start3A_162 = arith.constant 0 : i32
    %dma_start3A_163 = tpu.memref_slice %arg4[%add3A_159, %dma_start3A_162] : memref<819200x128xf32, #tpu.memory_space<hbm>> -> memref<128x128xf32, #tpu.memory_space<hbm>>
    tpu.enqueue_dma source(%arg6 : memref<128x128xf32, #tpu.memory_space<vmem>>) target(%dma_start3A_163 : memref<128x128xf32, #tpu.memory_space<hbm>>) target_semaphore(%arg16 : memref<!tpu.dma_semaphore, #tpu.memory_space<semaphore_mem>>)
    %dma_wait3A_164 = arith.constant 0 : i32
    %dma_wait3A_165 = tpu.memref_slice %arg4[%mul3A_2, %dma_wait3A_164] : memref<819200x128xf32, #tpu.memory_space<hbm>> -> memref<128x128xf32, #tpu.memory_space<hbm>>
    %dma_wait3A_166 = arith.constant 0 : i32
    %dma_wait3A_167 = tpu.memref_slice %arg4[%mul3A_2, %dma_wait3A_166] : memref<819200x128xf32, #tpu.memory_space<hbm>> -> memref<128x128xf32, #tpu.memory_space<hbm>>
    tpu.wait_dma2 semaphore(%arg20 : memref<!tpu.dma_semaphore, #tpu.memory_space<semaphore_mem>>) src(%arg10 : memref<128x128xf32, #tpu.memory_space<vmem>>) dst(%dma_wait3A_167 : memref<128x128xf32, #tpu.memory_space<hbm>>)
    %dma_start3A_168 = arith.constant 199 : i32
    %dma_start3A_169 = arith.constant 0 : i32
    %dma_start3A_170 = tpu.memref_slice %arg5[%dma_start3A_168, %dma_start3A_169] : memref<200x128xi32, #tpu.memory_space<vmem>> -> memref<1x128xi32, #tpu.memory_space<vmem>>
    %dma_start3A_171 = tpu.memref_squeeze %dma_start3A_170 : memref<1x128xi32, #tpu.memory_space<vmem>> -> memref<128xi32, #tpu.memory_space<vmem>>
    %dma_start3A_172 = arith.constant 0 : i32
    %dma_start3A_173 = arith.constant 0 : i32
    %dma_start3A_174 = tpu.memref_slice %arg2[%dma_start3A_172, %dma_start3A_173] : memref<100000x128xf32, #tpu.memory_space<hbm>> -> memref<100000x128xf32, #tpu.memory_space<hbm>>
    tpu.enqueue_indirect_dma source(%dma_start3A_174 : memref<100000x128xf32, #tpu.memory_space<hbm>>) target(%arg10 : memref<128x128xf32, #tpu.memory_space<vmem>>) offsets(%dma_start3A_171 : memref<128xi32, #tpu.memory_space<vmem>>) semaphore(%arg15 : memref<!tpu.dma_semaphore, #tpu.memory_space<semaphore_mem>>)
    %dma_wait3A_175 = arith.constant 0 : i32
    %dma_wait3A_176 = arith.constant 0 : i32
    %dma_wait3A_177 = tpu.memref_slice %arg5[%dma_wait3A_175, %dma_wait3A_176] : memref<200x128xi32, #tpu.memory_space<vmem>> -> memref<1x128xi32, #tpu.memory_space<vmem>>
    %dma_wait3A_178 = tpu.memref_squeeze %dma_wait3A_177 : memref<1x128xi32, #tpu.memory_space<vmem>> -> memref<128xi32, #tpu.memory_space<vmem>>
    %dma_wait3A_179 = arith.constant 0 : i32
    %dma_wait3A_180 = arith.constant 0 : i32
    %dma_wait3A_181 = tpu.memref_slice %arg2[%dma_wait3A_179, %dma_wait3A_180] : memref<100000x128xf32, #tpu.memory_space<hbm>> -> memref<100000x128xf32, #tpu.memory_space<hbm>>
    tpu.wait_indirect_dma semaphore(%arg12 : memref<!tpu.dma_semaphore, #tpu.memory_space<semaphore_mem>>) src(%dma_wait3A_181 : memref<100000x128xf32, #tpu.memory_space<hbm>>) dst(%arg7 : memref<128x128xf32, #tpu.memory_space<vmem>>)
    %add3A_182 = arith.constant 25088 : i32
    %add3A_183 = arith.addi %mul3A_2, %add3A_182 : i32
    %dma_start3A_184 = arith.constant 0 : i32
    %dma_start3A_185 = tpu.memref_slice %arg4[%add3A_183, %dma_start3A_184] : memref<819200x128xf32, #tpu.memory_space<hbm>> -> memref<128x128xf32, #tpu.memory_space<hbm>>
    %dma_start3A_186 = arith.constant 0 : i32
    %dma_start3A_187 = tpu.memref_slice %arg4[%add3A_183, %dma_start3A_186] : memref<819200x128xf32, #tpu.memory_space<hbm>> -> memref<128x128xf32, #tpu.memory_space<hbm>>
    tpu.enqueue_dma source(%arg7 : memref<128x128xf32, #tpu.memory_space<vmem>>) target(%dma_start3A_187 : memref<128x128xf32, #tpu.memory_space<hbm>>) target_semaphore(%arg17 : memref<!tpu.dma_semaphore, #tpu.memory_space<semaphore_mem>>)
    %dma_wait3A_188 = arith.constant 0 : i32
    %dma_wait3A_189 = arith.constant 0 : i32
    %dma_wait3A_190 = tpu.memref_slice %arg5[%dma_wait3A_188, %dma_wait3A_189] : memref<200x128xi32, #tpu.memory_space<vmem>> -> memref<1x128xi32, #tpu.memory_space<vmem>>
    %dma_wait3A_191 = tpu.memref_squeeze %dma_wait3A_190 : memref<1x128xi32, #tpu.memory_space<vmem>> -> memref<128xi32, #tpu.memory_space<vmem>>
    %dma_wait3A_192 = arith.constant 0 : i32
    %dma_wait3A_193 = arith.constant 0 : i32
    %dma_wait3A_194 = tpu.memref_slice %arg2[%dma_wait3A_192, %dma_wait3A_193] : memref<100000x128xf32, #tpu.memory_space<hbm>> -> memref<100000x128xf32, #tpu.memory_space<hbm>>
    tpu.wait_indirect_dma semaphore(%arg13 : memref<!tpu.dma_semaphore, #tpu.memory_space<semaphore_mem>>) src(%dma_wait3A_194 : memref<100000x128xf32, #tpu.memory_space<hbm>>) dst(%arg8 : memref<128x128xf32, #tpu.memory_space<vmem>>)
    %add3A_195 = arith.constant 25216 : i32
    %add3A_196 = arith.addi %mul3A_2, %add3A_195 : i32
    %dma_start3A_197 = arith.constant 0 : i32
    %dma_start3A_198 = tpu.memref_slice %arg4[%add3A_196, %dma_start3A_197] : memref<819200x128xf32, #tpu.memory_space<hbm>> -> memref<128x128xf32, #tpu.memory_space<hbm>>
    %dma_start3A_199 = arith.constant 0 : i32
    %dma_start3A_200 = tpu.memref_slice %arg4[%add3A_196, %dma_start3A_199] : memref<819200x128xf32, #tpu.memory_space<hbm>> -> memref<128x128xf32, #tpu.memory_space<hbm>>
    tpu.enqueue_dma source(%arg8 : memref<128x128xf32, #tpu.memory_space<vmem>>) target(%dma_start3A_200 : memref<128x128xf32, #tpu.memory_space<hbm>>) target_semaphore(%arg18 : memref<!tpu.dma_semaphore, #tpu.memory_space<semaphore_mem>>)
    %dma_wait3A_201 = arith.constant 0 : i32
    %dma_wait3A_202 = arith.constant 0 : i32
    %dma_wait3A_203 = tpu.memref_slice %arg5[%dma_wait3A_201, %dma_wait3A_202] : memref<200x128xi32, #tpu.memory_space<vmem>> -> memref<1x128xi32, #tpu.memory_space<vmem>>
    %dma_wait3A_204 = tpu.memref_squeeze %dma_wait3A_203 : memref<1x128xi32, #tpu.memory_space<vmem>> -> memref<128xi32, #tpu.memory_space<vmem>>
    %dma_wait3A_205 = arith.constant 0 : i32
    %dma_wait3A_206 = arith.constant 0 : i32
    %dma_wait3A_207 = tpu.memref_slice %arg2[%dma_wait3A_205, %dma_wait3A_206] : memref<100000x128xf32, #tpu.memory_space<hbm>> -> memref<100000x128xf32, #tpu.memory_space<hbm>>
    tpu.wait_indirect_dma semaphore(%arg14 : memref<!tpu.dma_semaphore, #tpu.memory_space<semaphore_mem>>) src(%dma_wait3A_207 : memref<100000x128xf32, #tpu.memory_space<hbm>>) dst(%arg9 : memref<128x128xf32, #tpu.memory_space<vmem>>)
    %add3A_208 = arith.constant 25344 : i32
    %add3A_209 = arith.addi %mul3A_2, %add3A_208 : i32
    %dma_start3A_210 = arith.constant 0 : i32
    %dma_start3A_211 = tpu.memref_slice %arg4[%add3A_209, %dma_start3A_210] : memref<819200x128xf32, #tpu.memory_space<hbm>> -> memref<128x128xf32, #tpu.memory_space<hbm>>
    %dma_start3A_212 = arith.constant 0 : i32
    %dma_start3A_213 = tpu.memref_slice %arg4[%add3A_209, %dma_start3A_212] : memref<819200x128xf32, #tpu.memory_space<hbm>> -> memref<128x128xf32, #tpu.memory_space<hbm>>
    tpu.enqueue_dma source(%arg9 : memref<128x128xf32, #tpu.memory_space<vmem>>) target(%dma_start3A_213 : memref<128x128xf32, #tpu.memory_space<hbm>>) target_semaphore(%arg19 : memref<!tpu.dma_semaphore, #tpu.memory_space<semaphore_mem>>)
    %dma_wait3A_214 = arith.constant 0 : i32
    %dma_wait3A_215 = arith.constant 0 : i32
    %dma_wait3A_216 = tpu.memref_slice %arg5[%dma_wait3A_214, %dma_wait3A_215] : memref<200x128xi32, #tpu.memory_space<vmem>> -> memref<1x128xi32, #tpu.memory_space<vmem>>
    %dma_wait3A_217 = tpu.memref_squeeze %dma_wait3A_216 : memref<1x128xi32, #tpu.memory_space<vmem>> -> memref<128xi32, #tpu.memory_space<vmem>>
    %dma_wait3A_218 = arith.constant 0 : i32
    %dma_wait3A_219 = arith.constant 0 : i32
    %dma_wait3A_220 = tpu.memref_slice %arg2[%dma_wait3A_218, %dma_wait3A_219] : memref<100000x128xf32, #tpu.memory_space<hbm>> -> memref<100000x128xf32, #tpu.memory_space<hbm>>
    tpu.wait_indirect_dma semaphore(%arg15 : memref<!tpu.dma_semaphore, #tpu.memory_space<semaphore_mem>>) src(%dma_wait3A_220 : memref<100000x128xf32, #tpu.memory_space<hbm>>) dst(%arg10 : memref<128x128xf32, #tpu.memory_space<vmem>>)
    %add3A_221 = arith.constant 25472 : i32
    %add3A_222 = arith.addi %mul3A_2, %add3A_221 : i32
    %dma_start3A_223 = arith.constant 0 : i32
    %dma_start3A_224 = tpu.memref_slice %arg4[%add3A_222, %dma_start3A_223] : memref<819200x128xf32, #tpu.memory_space<hbm>> -> memref<128x128xf32, #tpu.memory_space<hbm>>
    %dma_start3A_225 = arith.constant 0 : i32
    %dma_start3A_226 = tpu.memref_slice %arg4[%add3A_222, %dma_start3A_225] : memref<819200x128xf32, #tpu.memory_space<hbm>> -> memref<128x128xf32, #tpu.memory_space<hbm>>
    tpu.enqueue_dma source(%arg10 : memref<128x128xf32, #tpu.memory_space<vmem>>) target(%dma_start3A_226 : memref<128x128xf32, #tpu.memory_space<hbm>>) target_semaphore(%arg20 : memref<!tpu.dma_semaphore, #tpu.memory_space<semaphore_mem>>)
    %dma_wait3A_227 = arith.constant 0 : i32
    %dma_wait3A_228 = tpu.memref_slice %arg4[%mul3A_2, %dma_wait3A_227] : memref<819200x128xf32, #tpu.memory_space<hbm>> -> memref<128x128xf32, #tpu.memory_space<hbm>>
    %dma_wait3A_229 = arith.constant 0 : i32
    %dma_wait3A_230 = tpu.memref_slice %arg4[%mul3A_2, %dma_wait3A_229] : memref<819200x128xf32, #tpu.memory_space<hbm>> -> memref<128x128xf32, #tpu.memory_space<hbm>>
    tpu.wait_dma2 semaphore(%arg16 : memref<!tpu.dma_semaphore, #tpu.memory_space<semaphore_mem>>) src(%arg6 : memref<128x128xf32, #tpu.memory_space<vmem>>) dst(%dma_wait3A_230 : memref<128x128xf32, #tpu.memory_space<hbm>>)
    %dma_wait3A_231 = arith.constant 0 : i32
    %dma_wait3A_232 = tpu.memref_slice %arg4[%mul3A_2, %dma_wait3A_231] : memref<819200x128xf32, #tpu.memory_space<hbm>> -> memref<128x128xf32, #tpu.memory_space<hbm>>
    %dma_wait3A_233 = arith.constant 0 : i32
    %dma_wait3A_234 = tpu.memref_slice %arg4[%mul3A_2, %dma_wait3A_233] : memref<819200x128xf32, #tpu.memory_space<hbm>> -> memref<128x128xf32, #tpu.memory_space<hbm>>
    tpu.wait_dma2 semaphore(%arg17 : memref<!tpu.dma_semaphore, #tpu.memory_space<semaphore_mem>>) src(%arg7 : memref<128x128xf32, #tpu.memory_space<vmem>>) dst(%dma_wait3A_234 : memref<128x128xf32, #tpu.memory_space<hbm>>)
    %dma_wait3A_235 = arith.constant 0 : i32
    %dma_wait3A_236 = tpu.memref_slice %arg4[%mul3A_2, %dma_wait3A_235] : memref<819200x128xf32, #tpu.memory_space<hbm>> -> memref<128x128xf32, #tpu.memory_space<hbm>>
    %dma_wait3A_237 = arith.constant 0 : i32
    %dma_wait3A_238 = tpu.memref_slice %arg4[%mul3A_2, %dma_wait3A_237] : memref<819200x128xf32, #tpu.memory_space<hbm>> -> memref<128x128xf32, #tpu.memory_space<hbm>>
    tpu.wait_dma2 semaphore(%arg18 : memref<!tpu.dma_semaphore, #tpu.memory_space<semaphore_mem>>) src(%arg8 : memref<128x128xf32, #tpu.memory_space<vmem>>) dst(%dma_wait3A_238 : memref<128x128xf32, #tpu.memory_space<hbm>>)
    %dma_wait3A_239 = arith.constant 0 : i32
    %dma_wait3A_240 = tpu.memref_slice %arg4[%mul3A_2, %dma_wait3A_239] : memref<819200x128xf32, #tpu.memory_space<hbm>> -> memref<128x128xf32, #tpu.memory_space<hbm>>
    %dma_wait3A_241 = arith.constant 0 : i32
    %dma_wait3A_242 = tpu.memref_slice %arg4[%mul3A_2, %dma_wait3A_241] : memref<819200x128xf32, #tpu.memory_space<hbm>> -> memref<128x128xf32, #tpu.memory_space<hbm>>
    tpu.wait_dma2 semaphore(%arg19 : memref<!tpu.dma_semaphore, #tpu.memory_space<semaphore_mem>>) src(%arg9 : memref<128x128xf32, #tpu.memory_space<vmem>>) dst(%dma_wait3A_242 : memref<128x128xf32, #tpu.memory_space<hbm>>)
    %dma_wait3A_243 = arith.constant 0 : i32
    %dma_wait3A_244 = tpu.memref_slice %arg4[%mul3A_2, %dma_wait3A_243] : memref<819200x128xf32, #tpu.memory_space<hbm>> -> memref<128x128xf32, #tpu.memory_space<hbm>>
    %dma_wait3A_245 = arith.constant 0 : i32
    %dma_wait3A_246 = tpu.memref_slice %arg4[%mul3A_2, %dma_wait3A_245] : memref<819200x128xf32, #tpu.memory_space<hbm>> -> memref<128x128xf32, #tpu.memory_space<hbm>>
    tpu.wait_dma2 semaphore(%arg20 : memref<!tpu.dma_semaphore, #tpu.memory_space<semaphore_mem>>) src(%arg10 : memref<128x128xf32, #tpu.memory_space<vmem>>) dst(%dma_wait3A_246 : memref<128x128xf32, #tpu.memory_space<hbm>>)
    return
  }
}

module attributes {stable_mosaic.version = 14 : i64} {
  func.func @_mlp_body(%arg0: i32, %arg1: memref<4000x64xbf16, #tpu.memory_space<vmem>>, %arg2: memref<64x128xf32, #tpu.memory_space<vmem>>, %arg3: memref<128x128xf32, #tpu.memory_space<vmem>>, %arg4: memref<1x128xf32, #tpu.memory_space<vmem>>, %arg5: memref<128x128xf32, #tpu.memory_space<vmem>>, %arg6: memref<1x128xf32, #tpu.memory_space<vmem>>, %arg7: memref<128x128xf32, #tpu.memory_space<vmem>>, %arg8: memref<1x128xf32, #tpu.memory_space<vmem>>, %arg9: memref<128x128xf32, #tpu.memory_space<vmem>>, %arg10: memref<1x128xf32, #tpu.memory_space<vmem>>, %arg11: memref<4000x128xf32, #tpu.memory_space<vmem>>) attributes {dimension_semantics = [#tpu.dimension_semantics<arbitrary>], iteration_bounds = array<i64: 25>, scalar_prefetch = 0 : i64, scratch_operands = 0 : i64, tpu.core_type = #tpu.core_type<tc>, window_params = [{transform_indices = @transform_0, window_bounds = array<i64: 4000, 64>}, {pipeline_mode = #tpu.pipeline_mode<synchronous>, transform_indices = @transform_1, window_bounds = array<i64: 64, 128>}, {pipeline_mode = #tpu.pipeline_mode<synchronous>, transform_indices = @transform_2, window_bounds = array<i64: 128, 128>}, {pipeline_mode = #tpu.pipeline_mode<synchronous>, transform_indices = @transform_3, window_bounds = array<i64: 1, 128>}, {pipeline_mode = #tpu.pipeline_mode<synchronous>, transform_indices = @transform_4, window_bounds = array<i64: 128, 128>}, {pipeline_mode = #tpu.pipeline_mode<synchronous>, transform_indices = @transform_5, window_bounds = array<i64: 1, 128>}, {pipeline_mode = #tpu.pipeline_mode<synchronous>, transform_indices = @transform_6, window_bounds = array<i64: 128, 128>}, {pipeline_mode = #tpu.pipeline_mode<synchronous>, transform_indices = @transform_7, window_bounds = array<i64: 1, 128>}, {pipeline_mode = #tpu.pipeline_mode<synchronous>, transform_indices = @transform_8, window_bounds = array<i64: 128, 128>}, {pipeline_mode = #tpu.pipeline_mode<synchronous>, transform_indices = @transform_9, window_bounds = array<i64: 1, 128>}, {transform_indices = @transform_10, window_bounds = array<i64: 4000, 128>}]} {
    %get3A = arith.constant 0 : index
    %get3A_0 = arith.constant 0 : index
    %get3A_1 = vector.load %arg1[%get3A, %get3A_0] : memref<4000x64xbf16, #tpu.memory_space<vmem>>, vector<4000x64xbf16>
    %get3A_2 = arith.constant 0 : index
    %get3A_3 = arith.constant 0 : index
    %get3A_4 = vector.load %arg2[%get3A_2, %get3A_3] : memref<64x128xf32, #tpu.memory_space<vmem>>, vector<64x128xf32>
    %convert_element_type3A = arith.truncf %get3A_4 : vector<64x128xf32> to vector<64x128xbf16>
    %dot_general3A = arith.constant dense<0.000000e+00> : vector<4000x128xf32>
    %dot_general3A_5 = tpu.matmul %get3A_1, %convert_element_type3A, %dot_general3A {dimension_numbers = #tpu.dot_dimension_numbers<[1], [0], [0], [1], [0, 0, 1, 1], [], []>, transpose_lhs_hint = false} : vector<4000x64xbf16>, vector<64x128xbf16>, vector<4000x128xf32> -> vector<4000x128xf32>
    %convert_element_type3A_6 = arith.truncf %dot_general3A_5 : vector<4000x128xf32> to vector<4000x128xbf16>
    %get3A_7 = arith.constant 0 : index
    %get3A_8 = arith.constant 0 : index
    %get3A_9 = vector.load %arg5[%get3A_7, %get3A_8] : memref<128x128xf32, #tpu.memory_space<vmem>>, vector<128x128xf32>
    %convert_element_type3A_10 = arith.truncf %get3A_9 : vector<128x128xf32> to vector<128x128xbf16>
    %dot_general3A_11 = arith.constant dense<0.000000e+00> : vector<4000x128xf32>
    %dot_general3A_12 = tpu.matmul %convert_element_type3A_6, %convert_element_type3A_10, %dot_general3A_11 {dimension_numbers = #tpu.dot_dimension_numbers<[1], [0], [0], [1], [0, 0, 1, 1], [], []>, transpose_lhs_hint = false} : vector<4000x128xbf16>, vector<128x128xbf16>, vector<4000x128xf32> -> vector<4000x128xf32>
    %get3A_13 = arith.constant 0 : index
    %get3A_14 = arith.constant 0 : index
    %get3A_15 = vector.load %arg6[%get3A_13, %get3A_14] : memref<1x128xf32, #tpu.memory_space<vmem>>, vector<1x128xf32>
    %add3A = vector.broadcast %get3A_15 : vector<1x128xf32> to vector<4000x128xf32>
    %add3A_16 = arith.addf %dot_general3A_12, %add3A : vector<4000x128xf32>
    %mul3A = arith.constant 5.000000e-01 : f32
    %mul3A_17 = vector.broadcast %mul3A : f32 to vector<4000x128xf32>
    %mul3A_18 = arith.mulf %add3A_16, %mul3A_17 : vector<4000x128xf32>
    %tanh3A = math.tanh %mul3A_18 : vector<4000x128xf32>
    %mul3A_19 = arith.constant 5.000000e-01 : f32
    %mul3A_20 = vector.broadcast %mul3A_19 : f32 to vector<4000x128xf32>
    %mul3A_21 = arith.mulf %mul3A_20, %tanh3A : vector<4000x128xf32>
    %add3A_22 = arith.constant 5.000000e-01 : f32
    %add3A_23 = vector.broadcast %add3A_22 : f32 to vector<4000x128xf32>
    %add3A_24 = arith.addf %mul3A_21, %add3A_23 : vector<4000x128xf32>
    %convert_element_type3A_25 = arith.truncf %dot_general3A_5 : vector<4000x128xf32> to vector<4000x128xbf16>
    %get3A_26 = arith.constant 0 : index
    %get3A_27 = arith.constant 0 : index
    %get3A_28 = vector.load %arg3[%get3A_26, %get3A_27] : memref<128x128xf32, #tpu.memory_space<vmem>>, vector<128x128xf32>
    %convert_element_type3A_29 = arith.truncf %get3A_28 : vector<128x128xf32> to vector<128x128xbf16>
    %dot_general3A_30 = arith.constant dense<0.000000e+00> : vector<4000x128xf32>
    %dot_general3A_31 = tpu.matmul %convert_element_type3A_25, %convert_element_type3A_29, %dot_general3A_30 {dimension_numbers = #tpu.dot_dimension_numbers<[1], [0], [0], [1], [0, 0, 1, 1], [], []>, transpose_lhs_hint = false} : vector<4000x128xbf16>, vector<128x128xbf16>, vector<4000x128xf32> -> vector<4000x128xf32>
    %get3A_32 = arith.constant 0 : index
    %get3A_33 = arith.constant 0 : index
    %get3A_34 = vector.load %arg4[%get3A_32, %get3A_33] : memref<1x128xf32, #tpu.memory_space<vmem>>, vector<1x128xf32>
    %add3A_35 = vector.broadcast %get3A_34 : vector<1x128xf32> to vector<4000x128xf32>
    %add3A_36 = arith.addf %dot_general3A_31, %add3A_35 : vector<4000x128xf32>
    %max3A = arith.constant 0.000000e+00 : f32
    %max3A_37 = vector.broadcast %max3A : f32 to vector<4000x128xf32>
    %max3A_38 = arith.maximumf %add3A_36, %max3A_37 : vector<4000x128xf32>
    %sub3A = arith.subf %max3A_38, %dot_general3A_5 : vector<4000x128xf32>
    %mul3A_39 = arith.mulf %add3A_24, %sub3A : vector<4000x128xf32>
    %add3A_40 = arith.addf %mul3A_39, %dot_general3A_5 : vector<4000x128xf32>
    %convert_element_type3A_41 = arith.truncf %add3A_40 : vector<4000x128xf32> to vector<4000x128xbf16>
    %get3A_42 = arith.constant 0 : index
    %get3A_43 = arith.constant 0 : index
    %get3A_44 = vector.load %arg9[%get3A_42, %get3A_43] : memref<128x128xf32, #tpu.memory_space<vmem>>, vector<128x128xf32>
    %convert_element_type3A_45 = arith.truncf %get3A_44 : vector<128x128xf32> to vector<128x128xbf16>
    %dot_general3A_46 = arith.constant dense<0.000000e+00> : vector<4000x128xf32>
    %dot_general3A_47 = tpu.matmul %convert_element_type3A_41, %convert_element_type3A_45, %dot_general3A_46 {dimension_numbers = #tpu.dot_dimension_numbers<[1], [0], [0], [1], [0, 0, 1, 1], [], []>, transpose_lhs_hint = false} : vector<4000x128xbf16>, vector<128x128xbf16>, vector<4000x128xf32> -> vector<4000x128xf32>
    %get3A_48 = arith.constant 0 : index
    %get3A_49 = arith.constant 0 : index
    %get3A_50 = vector.load %arg10[%get3A_48, %get3A_49] : memref<1x128xf32, #tpu.memory_space<vmem>>, vector<1x128xf32>
    %add3A_51 = vector.broadcast %get3A_50 : vector<1x128xf32> to vector<4000x128xf32>
    %add3A_52 = arith.addf %dot_general3A_47, %add3A_51 : vector<4000x128xf32>
    %mul3A_53 = arith.constant 5.000000e-01 : f32
    %mul3A_54 = vector.broadcast %mul3A_53 : f32 to vector<4000x128xf32>
    %mul3A_55 = arith.mulf %add3A_52, %mul3A_54 : vector<4000x128xf32>
    %tanh3A_56 = math.tanh %mul3A_55 : vector<4000x128xf32>
    %mul3A_57 = arith.constant 5.000000e-01 : f32
    %mul3A_58 = vector.broadcast %mul3A_57 : f32 to vector<4000x128xf32>
    %mul3A_59 = arith.mulf %mul3A_58, %tanh3A_56 : vector<4000x128xf32>
    %add3A_60 = arith.constant 5.000000e-01 : f32
    %add3A_61 = vector.broadcast %add3A_60 : f32 to vector<4000x128xf32>
    %add3A_62 = arith.addf %mul3A_59, %add3A_61 : vector<4000x128xf32>
    %convert_element_type3A_63 = arith.truncf %add3A_40 : vector<4000x128xf32> to vector<4000x128xbf16>
    %get3A_64 = arith.constant 0 : index
    %get3A_65 = arith.constant 0 : index
    %get3A_66 = vector.load %arg7[%get3A_64, %get3A_65] : memref<128x128xf32, #tpu.memory_space<vmem>>, vector<128x128xf32>
    %convert_element_type3A_67 = arith.truncf %get3A_66 : vector<128x128xf32> to vector<128x128xbf16>
    %dot_general3A_68 = arith.constant dense<0.000000e+00> : vector<4000x128xf32>
    %dot_general3A_69 = tpu.matmul %convert_element_type3A_63, %convert_element_type3A_67, %dot_general3A_68 {dimension_numbers = #tpu.dot_dimension_numbers<[1], [0], [0], [1], [0, 0, 1, 1], [], []>, transpose_lhs_hint = false} : vector<4000x128xbf16>, vector<128x128xbf16>, vector<4000x128xf32> -> vector<4000x128xf32>
    %get3A_70 = arith.constant 0 : index
    %get3A_71 = arith.constant 0 : index
    %get3A_72 = vector.load %arg8[%get3A_70, %get3A_71] : memref<1x128xf32, #tpu.memory_space<vmem>>, vector<1x128xf32>
    %add3A_73 = vector.broadcast %get3A_72 : vector<1x128xf32> to vector<4000x128xf32>
    %add3A_74 = arith.addf %dot_general3A_69, %add3A_73 : vector<4000x128xf32>
    %max3A_75 = arith.constant 0.000000e+00 : f32
    %max3A_76 = vector.broadcast %max3A_75 : f32 to vector<4000x128xf32>
    %max3A_77 = arith.maximumf %add3A_74, %max3A_76 : vector<4000x128xf32>
    %sub3A_78 = arith.subf %max3A_77, %add3A_40 : vector<4000x128xf32>
    %mul3A_79 = arith.mulf %add3A_62, %sub3A_78 : vector<4000x128xf32>
    %add3A_80 = arith.addf %mul3A_79, %add3A_40 : vector<4000x128xf32>
    %swap3A = arith.constant 0 : index
    %swap3A_81 = arith.constant 0 : index
    %swap3A_82 = vector.load %arg11[%swap3A, %swap3A_81] : memref<4000x128xf32, #tpu.memory_space<vmem>>, vector<4000x128xf32>
    tpu.vector_store %arg11[%swap3A, %swap3A_81], %add3A_80 {strides = array<i32>} : memref<4000x128xf32, #tpu.memory_space<vmem>>, vector<4000x128xf32>,
    return
  }
  func.func @transform_0(%arg0: i32) -> (i32, i32) {
    %c0_i32 = arith.constant 0 : i32
    %c0_i32_0 = arith.constant 0 : i32
    return %arg0, %c0_i32 : i32, i32
  }
  func.func @transform_1(%arg0: i32) -> (i32, i32) {
    %c0_i32 = arith.constant 0 : i32
    %c0_i32_0 = arith.constant 0 : i32
    %c0_i32_1 = arith.constant 0 : i32
    return %c0_i32, %c0_i32_0 : i32, i32
  }
  func.func @transform_2(%arg0: i32) -> (i32, i32) {
    %c0_i32 = arith.constant 0 : i32
    %c0_i32_0 = arith.constant 0 : i32
    %c0_i32_1 = arith.constant 0 : i32
    return %c0_i32, %c0_i32_0 : i32, i32
  }
  func.func @transform_3(%arg0: i32) -> (i32, i32) {
    %c0_i32 = arith.constant 0 : i32
    %c0_i32_0 = arith.constant 0 : i32
    %c0_i32_1 = arith.constant 0 : i32
    return %c0_i32, %c0_i32_0 : i32, i32
  }
  func.func @transform_4(%arg0: i32) -> (i32, i32) {
    %c0_i32 = arith.constant 0 : i32
    %c0_i32_0 = arith.constant 0 : i32
    %c0_i32_1 = arith.constant 0 : i32
    return %c0_i32, %c0_i32_0 : i32, i32
  }
  func.func @transform_5(%arg0: i32) -> (i32, i32) {
    %c0_i32 = arith.constant 0 : i32
    %c0_i32_0 = arith.constant 0 : i32
    %c0_i32_1 = arith.constant 0 : i32
    return %c0_i32, %c0_i32_0 : i32, i32
  }
  func.func @transform_6(%arg0: i32) -> (i32, i32) {
    %c0_i32 = arith.constant 0 : i32
    %c0_i32_0 = arith.constant 0 : i32
    %c0_i32_1 = arith.constant 0 : i32
    return %c0_i32, %c0_i32_0 : i32, i32
  }
  func.func @transform_7(%arg0: i32) -> (i32, i32) {
    %c0_i32 = arith.constant 0 : i32
    %c0_i32_0 = arith.constant 0 : i32
    %c0_i32_1 = arith.constant 0 : i32
    return %c0_i32, %c0_i32_0 : i32, i32
  }
  func.func @transform_8(%arg0: i32) -> (i32, i32) {
    %c0_i32 = arith.constant 0 : i32
    %c0_i32_0 = arith.constant 0 : i32
    %c0_i32_1 = arith.constant 0 : i32
    return %c0_i32, %c0_i32_0 : i32, i32
  }
  func.func @transform_9(%arg0: i32) -> (i32, i32) {
    %c0_i32 = arith.constant 0 : i32
    %c0_i32_0 = arith.constant 0 : i32
    %c0_i32_1 = arith.constant 0 : i32
    return %c0_i32, %c0_i32_0 : i32, i32
  }
  func.func @transform_10(%arg0: i32) -> (i32, i32) {
    %c0_i32 = arith.constant 0 : i32
    %c0_i32_0 = arith.constant 0 : i32
    return %arg0, %c0_i32 : i32, i32
  }
}

</mosaic_0001>

<sc_bundles>
// kernel: kernel.4.cloned.1.call-start
scs
__scs_entry_jumppad:
0x0: {  	(pc) =	sbr.rel $0x88, $3  }
0x1: {  	(tag) =	ssettag $0x0;
	lr =	simm.s32 $0x1  }
0x2: {  	[smem:$0x3F96] =	sst lr;
	_ =	strace $0xD0000000  }
0x3: {  	_ = 	snop  }
0x4: {  	_ = 	snop  }
0x5: {  	_ = 	snop  }
0x6: {  	_ = 	snop  }
0x7: {  	_ = 	snop  }
__scs_overlays_trampoline_lowered:
0x8: {  	[smem:$0x3FA5] =	sst s0  }
0x9: {  	[smem:$0x3FA6] =	sst s1  }
0xa: {  	[smem:$0x3FA7] =	sst s2  }
0xb: {  	[smem:$0x3FA8] =	sst s3  }
0xc: {  	[smem:$0x3FA9] =	sst s4  }
0xd: {  	[smem:$0x3FAA] =	sst s5  }
0xe: {  	[smem:$0x3FAB] =	sst s6  }
0xf: {  	[smem:$0x3FAC] =	sst s7  }
0x10: {  	[smem:$0x3FAD] =	sst s8  }
0x11: {  	[smem:$0x3FAE] =	sst s9;
	s0 =	simm.s32 @!p0 $0x0  }
0x12: {  	s1 =	sld [smem:$0x3F94];
	s0 =	simm.s32 @p0 $0x1  }
0x13: {  	[smem:$0x3FAF] =	sst s0;
	s0 =	simm.s32 @!p1 $0x0  }
0x14: {  	s2 =	sld [smem:$0x3F93];
	s0 =	simm.s32 @p1 $0x1  }
0x15: {  	[smem:$0x3FB0] =	sst s0;
	s0 =	simm.s32 @!p2 $0x0  }
0x16: {  	s3 =	sld [smem:$0x3FDB];
	s0 =	simm.s32 @p2 $0x1  }
0x17: {  	s4 =	simm.s32 $0x1BF5;
	[smem:$0x3FB2] =	sst s0  }
0x18: {  	s0 =	sld [smem:$0x3F95];
	_ =	swait.ge [sflag:s4], $0x0  }
0x19: {  	s7 =	sld [smem:$0x3F96]  }
0x1a: {  	s8 =	sadd.s32 $0xFFFFE003, lr  }
0x1b: {  	s9 =	sadd.s32 $0xFFFFFEF7, lr;
	s5 =	simm.s32 $0xFFFFFFFF;
	p2 =	slt.u32 s8, $0xFFFFF086  }
0x1c: {  	p1 =	slt.u32 s9, $0xF7A;
	s5 =	simm.s32 @!p2 $0x0  }
0x1d: {  	s5 =	simm.s32 @p1 $0x1;
	p0 =	seq.s32 s7, s2  }
0x1e: {  	s7 =	smul.u32 @!p0 $0xF7A, s2;
	p2 =	seq.s32 @!p0 s5, $0x0  }
0x1f: {  	s9 =	smul.u32 $0xF7A, s1;
	s8 =	simm.s32 @!p0 $0x1BF5;
	p2 =	por !p2, p0  }
0x20: {  	[sflag:s8] =	ssyncset.s32 @!p0 $0xFFFFF086;
	s6 =	sadd.s32 @!p0 s3, s7;
	s7 =	simm.s32 @!p0 $0x108  }
0x21: {  	s3 =	sadd.s32 s3, s9;
	s6 =	sadd.s32 @!p0 $0x88, s6;
	s7 =	simm.s32 @p2 $0x1082  }
0x22: {  	[simem:s7], [sflag:s8] =	dma.local @!p0 [hbm:s6], $0xF7A  }
0x23: {  	s9 =	sor.u32 $0xD0000000, s2;
	s6 =	simm.s32 $0x108;
	_ =	swait.ge @!p0 [sflag:s8], $0x0  }
0x24: {  	s3 =	sadd.s32 $0x88, s3;
	s6 =	simm.s32 @!p1 $0x1082;
	[sflag:s4] =	ssyncset.s32 $0xFFFFF086  }
0x25: {  	[simem:s6], [sflag:s4] =	dma.local [hbm:s3], $0xF7A  }
0x26: {  	[smem:$0x3F96] =	sst s1;
	(tag) =	ssettag s2;
	_ =	strace s9  }
0x27: {  	s1 =	sld [smem:$0x3FA6]  }
0x28: {  	s2 =	sld [smem:$0x3FA7]  }
0x29: {  	s4 =	sld [smem:$0x3FA9]  }
0x2a: {  	p0 =	seq.s32 s5, $0x0;
	s5 =	sld [smem:$0x3FAA]  }
0x2b: {  	s6 =	sld [smem:$0x3FAB]  }
0x2c: {  	s7 =	sld [smem:$0x3FAC]  }
0x2d: {  	s3 =	simm.s32 $0x108;
	s8 =	sld [smem:$0x3FAD]  }
0x2e: {  	s3 =	simm.s32 @!p0 $0x1082;
	s9 =	sld [smem:$0x3FAE]  }
0x2f: {  	lr =	sadd.s32 s0, s3;
	s0 =	sld [smem:$0x3FA5]  }
0x30: {  	s3 =	sld [smem:$0x3FA8]  }
0x31: {  	[smem:$0x3FB1] =	sst s10  }
0x32: {  	s10 =	sld [smem:$0x3FAF];
	_ =	sdelay $0x3  }
0x33: {  	p0 =	seq.s32 s10, $0x1;
	s10 =	sld [smem:$0x3FB1];
	_ =	sdelay $0x3  }
0x34: {  	[smem:$0x3FB1] =	sst s10  }
0x35: {  	s10 =	sld [smem:$0x3FB0];
	_ =	sdelay $0x3  }
0x36: {  	p1 =	seq.s32 s10, $0x1;
	s10 =	sld [smem:$0x3FB1];
	_ =	sdelay $0x3  }
0x37: {  	[smem:$0x3FB1] =	sst s10  }
0x38: {  	s10 =	sld [smem:$0x3FB2]  }
0x39: {  	_ = 	snop;
	(pc) =	sbr.ind lr, $3  }
0x3a: {  	_ = 	snop  }
0x3b: {  	_ = 	snop  }
0x3c: {  	p2 =	seq.s32 s10, $0x1;
	s10 =	sld [smem:$0x3FB1]  }
0x3d: {  	_ =	shalt  }
0x3e: {  	_ =	shalt  }
0x3f: {  	_ =	shalt  }
0x40: {  	_ =	shalt  }
0x41: {  	_ =	shalt  }
0x42: {  	_ =	shalt  }
0x43: {  	_ =	shalt  }
0x44: {  	_ =	shalt  }
0x45: {  	_ =	shalt  }
0x46: {  	_ =	shalt  }
0x47: {  	_ =	shalt  }
0x48: {  	_ =	shalt  }
0x49: {  	_ =	shalt  }
0x4a: {  	_ =	shalt  }
0x4b: {  	_ =	shalt  }
0x4c: {  	_ =	shalt  }
0x4d: {  	_ =	shalt  }
0x4e: {  	_ =	shalt  }
0x4f: {  	_ =	shalt  }
0x50: {  	_ =	shalt  }
0x51: {  	_ =	shalt  }
0x52: {  	_ =	shalt  }
0x53: {  	_ =	shalt  }
0x54: {  	_ =	shalt  }
0x55: {  	_ =	shalt  }
0x56: {  	_ =	shalt  }
0x57: {  	_ =	shalt  }
0x58: {  	_ =	shalt  }
0x59: {  	_ =	shalt  }
0x5a: {  	_ =	shalt  }
0x5b: {  	_ =	shalt  }
0x5c: {  	_ =	shalt  }
0x5d: {  	_ =	shalt  }
0x5e: {  	_ =	shalt  }
0x5f: {  	_ =	shalt  }
0x60: {  	_ =	shalt  }
0x61: {  	_ =	shalt  }
0x62: {  	_ =	shalt  }
0x63: {  	_ =	shalt  }
0x64: {  	_ =	shalt  }
0x65: {  	_ =	shalt  }
0x66: {  	_ =	shalt  }
0x67: {  	_ =	shalt  }
0x68: {  	_ =	shalt  }
0x69: {  	_ =	shalt  }
0x6a: {  	_ =	shalt  }
0x6b: {  	_ =	shalt  }
0x6c: {  	_ =	shalt  }
0x6d: {  	_ =	shalt  }
0x6e: {  	_ =	shalt  }
0x6f: {  	_ =	shalt  }
0x70: {  	_ =	shalt  }
0x71: {  	_ =	shalt  }
0x72: {  	_ =	shalt  }
0x73: {  	_ =	shalt  }
0x74: {  	_ =	shalt  }
0x75: {  	_ =	shalt  }
0x76: {  	_ =	shalt  }
0x77: {  	_ =	shalt  }
0x78: {  	_ =	shalt  }
0x79: {  	_ =	shalt  }
0x7a: {  	_ =	shalt  }
0x7b: {  	_ =	shalt  }
0x7c: {  	_ =	shalt  }
0x7d: {  	_ =	shalt  }
0x7e: {  	_ =	shalt  }
0x7f: {  	_ =	shalt  }
0x80: {  	_ =	shalt  }
0x81: {  	_ =	shalt  }
0x82: {  	_ =	shalt  }
0x83: {  	_ =	shalt  }
0x84: {  	_ =	shalt  }
0x85: {  	_ =	shalt  }
0x86: {  	_ =	shalt  }
0x87: {  	_ =	shalt  }
.Lfunc_end0:
.L_simem_size_0:
called_computation_lowered:
.L_overlay_start_0:
0x88: {  	s2 =	sld [smem:$0x3FD9]  }
0x89: {  	s3 =	sld [smem:$0x3FFE];
	_ =	sdelay $0x1  }
0x8a: {  	s1 =	srdreg.scid  }
0x8b: {  	s0 =	sand.u32 $0x1, s1  }
0x8c: {  	s17 =	sshll.u32 s0, $0xA;
	s2 =	sadd.s32 s3, s2  }
0x8d: {  	s2 =	sadd.s32 s2, s17  }
0x8e: {  	[smem:$0x3FBD] =	sst s2  }
0x8f: {  	_ = 	snop  }
0x90: {  	s2 =	sld [smem:$0x3FD0];
	(tm) =	ssettm $0x1  }
0x91: {  	s18 =	sld [smem:$0x3FFB];
	_ =	sdelay $0x3  }
0x92: {  	_ =	strace s18  }
0x93: {  	s3 =	sld [smem:$0x3FFC];
	_ =	sdelay $0x3  }
0x94: {  	_ =	strace s3  }
0x95: {  	s3 =	sld [smem:$0x3FFD];
	_ =	sdelay $0x3  }
0x96: {  	_ =	strace s3  }
0x97: {  	_ =	strace $0x8FFFFFFF  }
0x98: {  	s19 =	sld [smem:$0x3FDB];
	_ =	sdelay $0x1  }
0x99: {  	s4 =	simm.s32 $_scs_section_size  }
0x9a: {  	s5 =	simm.s32 $_size__tile_overlayer_lowered;
	s6 =	simm.s32 $_tile_overlayer_lowered  }
0x9b: {  	s22 =	simm.s32 $0x1BFF;
	s21 =	sshll.u32 s6, $0x1;
	s3 =	sadd.s32 s4, s19  }
0x9c: {  	s7 =	simm.s32 $0x0;
	s20 =	sshll.u32 s5, $0x1;
	s5 =	sadd.s32 s21, s3  }
0x9d: {  	[timem:s7], [sflag:s22] =	dma.local [hbm:s5], s20  }
0x9e: {  	_ =	swait.ge [sflag:s22], s20  }
0x9f: {  	s4 =	ssub.s32 $0x0, s20;
	[sflag:s22] =	ssyncset.done $0x0  }
0xa0: {  	[sflag:s22] =	ssyncadd.s32 s4;
	_ =	sdelay $0x1  }
0xa1: {  	s23 =	simm.s32 $0x1B8B  }
0xa2: {  	_ =	swait.ge [sflag:s23], $0x1  }
0xa3: {  	[sflag:s23] =	ssyncset.done $0x0  }
0xa4: {  	s25 =	simm.s32 $0x1B8E;
	s24 =	sld [smem:$0x3FFE];
	[sflag:s23] =	ssyncadd.s32 $0xFFFFFFFF  }
0xa5: {  	s26 =	simm.s32 $execute0_lowered;
	[smem:$0x3FD2] =	sst s25  }
0xa6: {  	s5 =	sshll.u32 s26, $0x1;
	_ =	strace $0x80000046;
	[dreg:$0x1] =	wrdreg $0xFFFFFFFF  }
0xa7: {  	s28 =	simm.s32 $_size_execute0_lowered;
	s3 =	sadd.s32 s3, s5;
	[dreg:$0x0] =	wrdreg $0x0  }
0xa8: {  	s5 =	sshll.u32 s28, $0x1;
	[dreg:$0x2] =	wrdreg s3  }
0xa9: {  	[dreg:$0x3] =	wrdreg s5  }
0xaa: {  	[dreg:$0x4] =	wrdreg $0xC0  }
0xab: {  	_ =	task [dreg:s7], $0x5FFFF  }
0xac: {  	[dreg:$0x1] =	wrdreg $0xFFFFFFFF  }
0xad: {  	[dreg:$0x0] =	wrdreg $0x60  }
0xae: {  	[dreg:$0x2] =	wrdreg s24  }
0xaf: {  	[dreg:$0x3] =	wrdreg s2  }
0xb0: {  	[dreg:$0x4] =	wrdreg $0x9  }
0xb1: {  	_ =	task.clear_ibuf [dreg:s7], $0x5FFFF;
	_ =	strace $0x90000046  }
0xb2: {  	s29 =	simm.s32 $0x9;
	_ =	strace $0x80000048  }
0xb3: {  	_ =	swait.ge [sflag:s29], $0x1  }
0xb4: {  	[sflag:s29] =	ssyncadd.s32 $0xFFFFFFFF  }
0xb5: {  	_ =	strace $0x90000048  }
0xb6: {  	_ =	sfence  }
0xb7: {  	s30 =	sld [smem:$0x0];
	_ =	sdelay $0x2  }
0xb8: {  	s31 =	sshll.u32 s1, $0xD;
	s1 =	sshrl.u32 s1, $0x2  }
0xb9: {  	s3 =	sand.u32 $0x4000, s31;
	s1 =	sadd.s32 s1, s30  }
0xba: {  	s0 =	sor.u32 s3, s0;
	s1 =	sshll.u32 s1, $0x11  }
0xbb: {  	s0 =	sor.u32 s1, s0  }
0xbc: {  	s0 =	sadd.s32 $0x8F2B, s0  }
0xbd: {  	[sflag:s0] =	ssyncadd.remote.s32 $0x1  }
0xbe: {  	_ =	sfence.sel $0xFFFF  }
0xbf: {  	[dreg:$0x0] =	wrdreg $0xFFFFFFFF;
	(pc) =	sbr.abs _section_cstart, $3  }
0xc0: {  	[dreg:$0x1] =	wrdreg $0xFFFFFFFF  }
0xc1: {  	_ =	task.clear_ibuf [dreg:s7], $0x2FFFF;
	_ =	strace $0x9FFFFFFF  }
0xc2: {  	(tm) =	ssettm $0x7FFFFFFF  }
0xc3: {  	_ =	shalt  }
tec
execute0_lowered:
.L_overlay_start_1:
0x0: {  	(tag) =	ssettag $0x1  }
0x1: {  	s0 =	rddreg [dreg:$0x0];
	s1 =	srdreg.scid  }
0x2: {  	s10 =	stileid.u32;
	s5 =	rddreg [dreg:$0x1];
	s2 =	simm.s32 $0x0  }
0x3: {  	s28 =	simm.s32 $0x16400;
	s29 =	simm.s32 $0x2;
	s30 =	simm.s32 $0x6  }
0x4: {  	s1 =	sand.u32 $0x1, s1;
	s3 =	sshll.u32 s10, $0x1;
	s23 =	smul.u32 $0xC8000, s10  }
0x5: {  	s6 =	sor.u32 s1, s3;
	s8 =	ssub.s32 $0x2, s1;
	s1 =	smul.u32 $0x64000, s1  }
0x6: {  	s31 =	simm.s32 $0x9;
	[smem:$0x7FF] =	sst s2;
	s4 =	smul.u32 $0xC80, s6  }
0x7: {  	_ =	strace $0x80000047;
	s3 =	sadd.s32 $0x1A600, s0;
	s7 =	smul.u32 $0x64000, s6  }
0x8: {  	s9 =	sshrl.u32 s8, $0x1;
	s6 =	smul.u32 $0x320000, s6;
	s0 =	sadd.s32 s4, s0  }
0x9: {  	s17 =	ssub.s32 s8, s9;
	s4 =	sadd.s32 s5, s7;
	s0 =	sadd.s32 $0x1600, s0  }
0xa: {  	s21 =	sshrl.u32 s6, $0x3;
	s18 =	sadd.s32 $0x800, s4;
	[dreg:$0x3] =	wrdreg s0  }
0xb: {  	s15 =	smax.u32 s17, $0x1;
	s19 =	sadd.s32 $0x1000, s4;
	[dreg:$0x4] =	wrdreg s18  }
0xc: {  	s17 =	simm.s32 $0xB;
	s20 =	sadd.s32 $0x1800, s4;
	[dreg:$0x5] =	wrdreg s19  }
0xd: {  	s6 =	simm.s32 $0x0;
	s22 =	sadd.s32 $0x2000, s4;
	[dreg:$0x6] =	wrdreg s20  }
0xe: {  	[dreg:$0x7] =	wrdreg s22;
	s0 =	sadd.s32 s5, s21;
	s5 =	sadd.s32 s23, s5  }
0xf: {  	s18 =	simm.s32 $0x80;
	s19 =	simm.s32 $0x6400;
	s20 =	simm.s32 $0xA400  }
0x10: {  	s22 =	simm.s32 $0xE400;
	s23 =	simm.s32 $0x4;
	s21 =	simm.s32 $0x5  }
0x11: {  	s24 =	sadd.s32 $0x61800, s0;
	s25 =	sadd.s32 $0x62000, s0;
	s12 =	sadd.s32 $0x62800, s0  }
0x12: {  	s13 =	sadd.s32 $0x63000, s0;
	s14 =	sadd.s32 $0x63800, s0;
	s26 =	sadd.s32 s1, s5  }
0x13: {  	s1 =	simm.s32 $0x3;
	s0 =	simm.s32 $0x7;
	[dreg:$0x8] =	wrdreg s24  }
0x14: {  	s5 =	simm.s32 $0xA;
	[dreg:$0x9] =	wrdreg s25;
	s9 =	sadd.s32 $0x4800, s26  }
0x15: {  	s24 =	simm.s32 $0x12400;
	s25 =	simm.s32 $0x1;
	s26 =	simm.s32 $0x8  }
.LBB2_1:
0x16: {  	s7 =	rddreg [dreg:$0x3]  }
0x17: {  	[tilespmem:s2], [sflag:$0xB] =	stream.linear.gather [hbm4b:s7+s2], $0x6400, $0x38;
	[tilespmem:$0x1A400] =	vst v63  }
0x18: {  	_ =	swait.ge [sflag:s17], $0x6400  }
0x19: {  	[sflag:s17] =	ssyncset.done $0x0  }
0x1a: {  	[sflag:s17] =	ssyncadd.s32 $0xFFFF9C00  }
0x1b: {  	[tilespmem:s19], [sflag:$0x1] =	stream.indirect.gather [hbm4b:s3+s18], $0x80, s2, s18, $0xb8;
	[tilespmem:$0x1A400] =	vst v63  }
0x1c: {  	_ = 	snop  }
0x1d: {  	[tilespmem:s20], [sflag:$0x2] =	stream.indirect.gather [hbm4b:s3+s18], $0x80, s18, s18, $0xb8;
	[tilespmem:$0x1A400] =	vst v63  }
0x1e: {  	s10 =	simm.s32 $0x100  }
0x1f: {  	[tilespmem:s22], [sflag:$0x3] =	stream.indirect.gather [hbm4b:s3+s18], $0x80, s10, s18, $0xb8;
	[tilespmem:$0x1A400] =	vst v63  }
0x20: {  	s11 =	simm.s32 $0x180  }
0x21: {  	[tilespmem:s24], [sflag:$0x4] =	stream.indirect.gather [hbm4b:s3+s18], $0x80, s11, s18, $0xb8;
	[tilespmem:$0x1A400] =	vst v63  }
0x22: {  	_ =	swait.ge [sflag:s25], $0x4000  }
0x23: {  	[sflag:s25] =	ssyncset.done $0x0  }
0x24: {  	[sflag:s25] =	ssyncadd.s32 $0xFFFFC000  }
0x25: {  	[hbm4b:s4+s2] =	stream.linear.scatter [tilespmem:s19], [sflag:$0x6], $0x4000, $0x38;
	[tilespmem:$0x1A400] =	vst v63  }
0x26: {  	s16 =	simm.s32 $0x200  }
0x27: {  	[tilespmem:s28], [sflag:$0x5] =	stream.indirect.gather [hbm4b:s3+s18], $0x80, s16, s18, $0xb8;
	[tilespmem:$0x1A400] =	vst v63  }
0x28: {  	_ =	swait.ge [sflag:s29], $0x4000  }
0x29: {  	[sflag:s29] =	ssyncset.done $0x0  }
0x2a: {  	s8 =	rddreg [dreg:$0x4];
	[sflag:s29] =	ssyncadd.s32 $0xFFFFC000  }
0x2b: {  	[hbm4b:s8+s2] =	stream.linear.scatter [tilespmem:s20], [sflag:$0x7], $0x4000, $0x38;
	[tilespmem:$0x1A400] =	vst v63  }
0x2c: {  	_ =	swait.ge [sflag:s30], $0x4000  }
0x2d: {  	[sflag:s30] =	ssyncset.done $0x0  }
0x2e: {  	s10 =	simm.s32 $0x280;
	[sflag:s30] =	ssyncadd.s32 $0xFFFFC000  }
0x2f: {  	[tilespmem:s19], [sflag:$0x1] =	stream.indirect.gather [hbm4b:s3+s18], $0x80, s10, s18, $0xb8;
	[tilespmem:$0x1A400] =	vst v63  }
0x30: {  	_ =	swait.ge [sflag:s1], $0x4000  }
0x31: {  	[sflag:s1] =	ssyncset.done $0x0  }
0x32: {  	s11 =	rddreg [dreg:$0x5];
	[sflag:s1] =	ssyncadd.s32 $0xFFFFC000  }
0x33: {  	[hbm4b:s11+s2] =	stream.linear.scatter [tilespmem:s22], [sflag:$0x8], $0x4000, $0x38;
	[tilespmem:$0x1A400] =	vst v63  }
0x34: {  	_ =	swait.ge [sflag:s0], $0x4000  }
0x35: {  	[sflag:s0] =	ssyncset.done $0x0  }
0x36: {  	s16 =	simm.s32 $0x300;
	[sflag:s0] =	ssyncadd.s32 $0xFFFFC000  }
0x37: {  	[tilespmem:s20], [sflag:$0x2] =	stream.indirect.gather [hbm4b:s3+s18], $0x80, s16, s18, $0xb8;
	[tilespmem:$0x1A400] =	vst v63  }
0x38: {  	_ =	swait.ge [sflag:s23], $0x4000  }
0x39: {  	[sflag:s23] =	ssyncset.done $0x0  }
0x3a: {  	s8 =	rddreg [dreg:$0x6];
	[sflag:s23] =	ssyncadd.s32 $0xFFFFC000  }
0x3b: {  	[hbm4b:s8+s2] =	stream.linear.scatter [tilespmem:s24], [sflag:$0x9], $0x4000, $0x38;
	[tilespmem:$0x1A400] =	vst v63  }
0x3c: {  	_ =	swait.ge [sflag:s26], $0x4000  }
0x3d: {  	[sflag:s26] =	ssyncset.done $0x0  }
0x3e: {  	s10 =	simm.s32 $0x380;
	[sflag:s26] =	ssyncadd.s32 $0xFFFFC000  }
0x3f: {  	[tilespmem:s22], [sflag:$0x3] =	stream.indirect.gather [hbm4b:s3+s18], $0x80, s10, s18, $0xb8;
	[tilespmem:$0x1A400] =	vst v63  }
0x40: {  	_ =	swait.ge [sflag:s21], $0x4000  }
0x41: {  	[sflag:s21] =	ssyncset.done $0x0  }
0x42: {  	s11 =	rddreg [dreg:$0x7];
	[sflag:s21] =	ssyncadd.s32 $0xFFFFC000  }
0x43: {  	[hbm4b:s11+s2] =	stream.linear.scatter [tilespmem:s28], [sflag:$0xA], $0x4000, $0x38;
	[tilespmem:$0x1A400] =	vst v63  }
0x44: {  	_ =	swait.ge [sflag:s31], $0x4000  }
0x45: {  	[sflag:s31] =	ssyncset.done $0x0  }
0x46: {  	s16 =	simm.s32 $0x400;
	[sflag:s31] =	ssyncadd.s32 $0xFFFFC000  }
0x47: {  	[tilespmem:s24], [sflag:$0x4] =	stream.indirect.gather [hbm4b:s3+s18], $0x80, s16, s18, $0xb8;
	[tilespmem:$0x1A400] =	vst v63  }
0x48: {  	_ =	swait.ge [sflag:s25], $0x4000  }
0x49: {  	[sflag:s25] =	ssyncset.done $0x0  }
0x4a: {  	s8 =	sadd.s32 $0xFFFFE000, s9;
	[sflag:s25] =	ssyncadd.s32 $0xFFFFC000  }
0x4b: {  	[hbm4b:s8+s2] =	stream.linear.scatter [tilespmem:s19], [sflag:$0x6], $0x4000, $0x38;
	[tilespmem:$0x1A400] =	vst v63  }
0x4c: {  	_ =	swait.ge [sflag:s5], $0x4000  }
0x4d: {  	[sflag:s5] =	ssyncset.done $0x0  }
0x4e: {  	s10 =	simm.s32 $0x480;
	[sflag:s5] =	ssyncadd.s32 $0xFFFFC000  }
0x4f: {  	[tilespmem:s28], [sflag:$0x5] =	stream.indirect.gather [hbm4b:s3+s18], $0x80, s10, s18, $0xb8;
	[tilespmem:$0x1A400] =	vst v63  }
0x50: {  	_ =	swait.ge [sflag:s29], $0x4000  }
0x51: {  	[sflag:s29] =	ssyncset.done $0x0  }
0x52: {  	s11 =	sadd.s32 $0xFFFFE800, s9;
	[sflag:s29] =	ssyncadd.s32 $0xFFFFC000  }
0x53: {  	[hbm4b:s11+s2] =	stream.linear.scatter [tilespmem:s20], [sflag:$0x7], $0x4000, $0x38;
	[tilespmem:$0x1A400] =	vst v63  }
0x54: {  	_ =	swait.ge [sflag:s30], $0x4000  }
0x55: {  	[sflag:s30] =	ssyncset.done $0x0  }
0x56: {  	s16 =	simm.s32 $0x500;
	[sflag:s30] =	ssyncadd.s32 $0xFFFFC000  }
0x57: {  	[tilespmem:s19], [sflag:$0x1] =	stream.indirect.gather [hbm4b:s3+s18], $0x80, s16, s18, $0xb8;
	[tilespmem:$0x1A400] =	vst v63  }
0x58: {  	_ =	swait.ge [sflag:s1], $0x4000  }
0x59: {  	[sflag:s1] =	ssyncset.done $0x0  }
0x5a: {  	s8 =	sadd.s32 $0xFFFFF000, s9;
	[sflag:s1] =	ssyncadd.s32 $0xFFFFC000  }
0x5b: {  	[hbm4b:s8+s2] =	stream.linear.scatter [tilespmem:s22], [sflag:$0x8], $0x4000, $0x38;
	[tilespmem:$0x1A400] =	vst v63  }
0x5c: {  	_ =	swait.ge [sflag:s0], $0x4000  }
0x5d: {  	[sflag:s0] =	ssyncset.done $0x0  }
0x5e: {  	s10 =	simm.s32 $0x580;
	[sflag:s0] =	ssyncadd.s32 $0xFFFFC000  }
0x5f: {  	[tilespmem:s20], [sflag:$0x2] =	stream.indirect.gather [hbm4b:s3+s18], $0x80, s10, s18, $0xb8;
	[tilespmem:$0x1A400] =	vst v63  }
0x60: {  	_ =	swait.ge [sflag:s23], $0x4000  }
0x61: {  	[sflag:s23] =	ssyncset.done $0x0  }
0x62: {  	s11 =	sadd.s32 $0xFFFFF800, s9;
	[sflag:s23] =	ssyncadd.s32 $0xFFFFC000  }
0x63: {  	[hbm4b:s11+s2] =	stream.linear.scatter [tilespmem:s24], [sflag:$0x9], $0x4000, $0x38;
	[tilespmem:$0x1A400] =	vst v63  }
0x64: {  	_ =	swait.ge [sflag:s26], $0x4000  }
0x65: {  	[sflag:s26] =	ssyncset.done $0x0  }
0x66: {  	s16 =	simm.s32 $0x600;
	[sflag:s26] =	ssyncadd.s32 $0xFFFFC000  }
0x67: {  	[tilespmem:s22], [sflag:$0x3] =	stream.indirect.gather [hbm4b:s3+s18], $0x80, s16, s18, $0xb8;
	[tilespmem:$0x1A400] =	vst v63  }
0x68: {  	_ =	swait.ge [sflag:s21], $0x4000  }
0x69: {  	s7 =	simm.s32 $0xA00;
	[sflag:s21] =	ssyncset.done $0x0  }
0x6a: {  	s8 =	sadd.s32 $0x2800, s9;
	s16 =	smov.u32 s9;
	[sflag:s21] =	ssyncadd.s32 $0xFFFFC000  }
.LBB2_2:
0x6b: {  	[hbm4b:s16+s2] =	stream.linear.scatter [tilespmem:s28], [sflag:$0xA], $0x4000, $0x38;
	[tilespmem:$0x1A400] =	vst v63  }
0x6c: {  	s10 =	smov.u32 s7;
	s16 =	smov.u32 s8  }
0x6d: {  	p0 =	sne.s32 s7, $0x17200;
	s7 =	sadd.s32 $0xA00, s7;
	_ =	swait.ge [sflag:s31], $0x4000  }
0x6e: {  	s10 =	sshra.s32 s10, $0x2;
	[sflag:s31] =	ssyncset.done $0x0  }
0x6f: {  	s11 =	sadd.s32 $0x400, s10;
	[sflag:s31] =	ssyncadd.s32 $0xFFFFC000  }
0x70: {  	[tilespmem:s24], [sflag:$0x4] =	stream.indirect.gather [hbm4b:s3+s18], $0x80, s11, s18, $0xb8;
	[tilespmem:$0x1A400] =	vst v63  }
0x71: {  	_ =	swait.ge [sflag:s25], $0x4000  }
0x72: {  	[sflag:s25] =	ssyncset.done $0x0  }
0x73: {  	s11 =	sadd.s32 $0xFFFFE000, s8;
	[sflag:s25] =	ssyncadd.s32 $0xFFFFC000  }
0x74: {  	[hbm4b:s11+s2] =	stream.linear.scatter [tilespmem:s19], [sflag:$0x6], $0x4000, $0x38;
	[tilespmem:$0x1A400] =	vst v63  }
0x75: {  	_ =	swait.ge [sflag:s5], $0x4000  }
0x76: {  	[sflag:s5] =	ssyncset.done $0x0  }
0x77: {  	s11 =	sadd.s32 $0x480, s10;
	[sflag:s5] =	ssyncadd.s32 $0xFFFFC000  }
0x78: {  	[tilespmem:s28], [sflag:$0x5] =	stream.indirect.gather [hbm4b:s3+s18], $0x80, s11, s18, $0xb8;
	[tilespmem:$0x1A400] =	vst v63  }
0x79: {  	_ =	swait.ge [sflag:s29], $0x4000  }
0x7a: {  	[sflag:s29] =	ssyncset.done $0x0  }
0x7b: {  	s11 =	sadd.s32 $0xFFFFE800, s8;
	[sflag:s29] =	ssyncadd.s32 $0xFFFFC000  }
0x7c: {  	[hbm4b:s11+s2] =	stream.linear.scatter [tilespmem:s20], [sflag:$0x7], $0x4000, $0x38;
	[tilespmem:$0x1A400] =	vst v63  }
0x7d: {  	_ =	swait.ge [sflag:s30], $0x4000  }
0x7e: {  	[sflag:s30] =	ssyncset.done $0x0  }
0x7f: {  	s11 =	sadd.s32 $0x500, s10;
	[sflag:s30] =	ssyncadd.s32 $0xFFFFC000  }
0x80: {  	[tilespmem:s19], [sflag:$0x1] =	stream.indirect.gather [hbm4b:s3+s18], $0x80, s11, s18, $0xb8;
	[tilespmem:$0x1A400] =	vst v63  }
0x81: {  	_ =	swait.ge [sflag:s1], $0x4000  }
0x82: {  	[sflag:s1] =	ssyncset.done $0x0  }
0x83: {  	s11 =	sadd.s32 $0xFFFFF000, s8;
	[sflag:s1] =	ssyncadd.s32 $0xFFFFC000  }
0x84: {  	[hbm4b:s11+s2] =	stream.linear.scatter [tilespmem:s22], [sflag:$0x8], $0x4000, $0x38;
	[tilespmem:$0x1A400] =	vst v63  }
0x85: {  	_ =	swait.ge [sflag:s0], $0x4000  }
0x86: {  	[sflag:s0] =	ssyncset.done $0x0  }
0x87: {  	s11 =	sadd.s32 $0x580, s10;
	[sflag:s0] =	ssyncadd.s32 $0xFFFFC000  }
0x88: {  	[tilespmem:s20], [sflag:$0x2] =	stream.indirect.gather [hbm4b:s3+s18], $0x80, s11, s18, $0xb8;
	[tilespmem:$0x1A400] =	vst v63  }
0x89: {  	_ =	swait.ge [sflag:s23], $0x4000  }
0x8a: {  	[sflag:s23] =	ssyncset.done $0x0  }
0x8b: {  	s11 =	sadd.s32 $0xFFFFF800, s8;
	[sflag:s23] =	ssyncadd.s32 $0xFFFFC000  }
0x8c: {  	[hbm4b:s11+s2] =	stream.linear.scatter [tilespmem:s24], [sflag:$0x9], $0x4000, $0x38;
	[tilespmem:$0x1A400] =	vst v63  }
0x8d: {  	_ =	swait.ge [sflag:s26], $0x4000  }
0x8e: {  	[sflag:s26] =	ssyncset.done $0x0  }
.Ltmp0:
0x8f: {  	s10 =	sadd.s32 $0x600, s10;
	[sflag:s26] =	ssyncadd.s32 $0xFFFFC000;
	(pc) =	sbr.rel @p0 .LBB2_2-.Ltmp0, $4  }
0x90: {  	[tilespmem:s22], [sflag:$0x3] =	stream.indirect.gather [hbm4b:s3+s18], $0x80, s10, s18, $0xb8;
	[tilespmem:$0x1A400] =	vst v63  }
0x91: {  	_ =	swait.ge [sflag:s21], $0x4000  }
0x92: {  	[sflag:s21] =	ssyncset.done $0x0  }
0x93: {  	s8 =	sadd.s32 $0x2800, s8;
	[sflag:s21] =	ssyncadd.s32 $0xFFFFC000  }
0x94: {  	[hbm4b:s16+s2] =	stream.linear.scatter [tilespmem:s28], [sflag:$0xA], $0x4000, $0x38;
	[tilespmem:$0x1A400] =	vst v63  }
0x95: {  	_ =	swait.ge [sflag:s31], $0x4000  }
0x96: {  	[sflag:s31] =	ssyncset.done $0x0  }
0x97: {  	s7 =	simm.s32 $0x6300;
	[sflag:s31] =	ssyncadd.s32 $0xFFFFC000  }
0x98: {  	[tilespmem:s24], [sflag:$0x4] =	stream.indirect.gather [hbm4b:s3+s18], $0x80, s7, s18, $0xb8;
	[tilespmem:$0x1A400] =	vst v63  }
0x99: {  	_ =	swait.ge [sflag:s25], $0x4000  }
0x9a: {  	[sflag:s25] =	ssyncset.done $0x0  }
0x9b: {  	s10 =	rddreg [dreg:$0x8];
	[sflag:s25] =	ssyncadd.s32 $0xFFFFC000  }
0x9c: {  	[hbm4b:s10+s2] =	stream.linear.scatter [tilespmem:s19], [sflag:$0x6], $0x4000, $0x38;
	[tilespmem:$0x1A400] =	vst v63  }
0x9d: {  	_ =	swait.ge [sflag:s5], $0x4000  }
0x9e: {  	[sflag:s5] =	ssyncset.done $0x0  }
0x9f: {  	s11 =	simm.s32 $0x6380;
	[sflag:s5] =	ssyncadd.s32 $0xFFFFC000  }
0xa0: {  	[tilespmem:s28], [sflag:$0x5] =	stream.indirect.gather [hbm4b:s3+s18], $0x80, s11, s18, $0xb8;
	[tilespmem:$0x1A400] =	vst v63  }
0xa1: {  	_ =	swait.ge [sflag:s29], $0x4000  }
0xa2: {  	[sflag:s29] =	ssyncset.done $0x0  }
0xa3: {  	s16 =	rddreg [dreg:$0x9];
	[sflag:s29] =	ssyncadd.s32 $0xFFFFC000  }
0xa4: {  	[hbm4b:s16+s2] =	stream.linear.scatter [tilespmem:s20], [sflag:$0x7], $0x4000, $0x38;
	[tilespmem:$0x1A400] =	vst v63  }
0xa5: {  	_ =	swait.ge [sflag:s1], $0x4000  }
0xa6: {  	[sflag:s1] =	ssyncset.done $0x0  }
0xa7: {  	[sflag:s1] =	ssyncadd.s32 $0xFFFFC000  }
0xa8: {  	[hbm4b:s12+s2] =	stream.linear.scatter [tilespmem:s22], [sflag:$0x8], $0x4000, $0x38;
	[tilespmem:$0x1A400] =	vst v63  }
0xa9: {  	_ =	swait.ge [sflag:s23], $0x4000  }
0xaa: {  	[sflag:s23] =	ssyncset.done $0x0  }
0xab: {  	[sflag:s23] =	ssyncadd.s32 $0xFFFFC000  }
0xac: {  	[hbm4b:s13+s2] =	stream.linear.scatter [tilespmem:s24], [sflag:$0x9], $0x4000, $0x38;
	[tilespmem:$0x1A400] =	vst v63  }
0xad: {  	_ =	swait.ge [sflag:s21], $0x4000  }
0xae: {  	[sflag:s21] =	ssyncset.done $0x0  }
0xaf: {  	[sflag:s21] =	ssyncadd.s32 $0xFFFFC000  }
0xb0: {  	[hbm4b:s14+s2] =	stream.linear.scatter [tilespmem:s28], [sflag:$0xA], $0x4000, $0x38;
	[tilespmem:$0x1A400] =	vst v63  }
0xb1: {  	_ =	swait.ge [sflag:s30], $0x4000  }
0xb2: {  	[sflag:s30] =	ssyncset.done $0x0  }
0xb3: {  	[sflag:s30] =	ssyncadd.s32 $0xFFFFC000  }
0xb4: {  	_ =	swait.ge [sflag:s0], $0x4000  }
0xb5: {  	[sflag:s0] =	ssyncset.done $0x0  }
0xb6: {  	[sflag:s0] =	ssyncadd.s32 $0xFFFFC000  }
0xb7: {  	_ =	swait.ge [sflag:s26], $0x4000  }
0xb8: {  	[sflag:s26] =	ssyncset.done $0x0  }
0xb9: {  	s6 =	sadd.s32 $0x1, s6;
	[sflag:s26] =	ssyncadd.s32 $0xFFFFC000  }
0xba: {  	p0 =	sne.s32 s6, s15;
	_ =	swait.ge [sflag:s31], $0x4000  }
.Ltmp1:
0xbb: {  	[sflag:s31] =	ssyncset.done $0x0;
	(pc) =	sbr.rel @p0 .LBB2_1-.Ltmp1, $4  }
0xbc: {  	[sflag:s31] =	ssyncadd.s32 $0xFFFFC000  }
0xbd: {  	_ =	swait.ge [sflag:s5], $0x4000  }
0xbe: {  	[sflag:s5] =	ssyncset.done $0x0  }
0xbf: {  	[sflag:s5] =	ssyncadd.s32 $0xFFFFC000  }
0xc0: {  	_ =	sfence.sel $0x180000  }
0xc1: {  	[bflag:$0x0] =	sbarrier.arrive $0xFFFF  }
0xc2: {  	_ =	strace $0x90000047  }
0xc3: {  	s0 =	stileid.u32;
	[bflag:$0x2] =	sbarrier.arrive $0xFFFF  }
0xc4: {  	p0 =	sne.s32 s0, $0x0;
	s0 =	rddreg [dreg:$0x2]  }
0xc5: {  	s0 =	sadd.s32 @!p0 $0x100000, s0  }
0xc6: {  	[sflag:s0] =	ssyncadd.tile.s32 @!p0 $0x1;
	_ =	shalt  }
.Lfunc_end2:
_tile_overlayer_lowered:
.L_overlay_start_2:
0xc7: {  	(tag) =	ssettag $0x2  }
0xc8: {  	s0 =	rddreg [dreg:$0x0];
	s2 =	stileid.u32  }
0xc9: {  	s1 =	rddreg [dreg:$0x1];
	p0 =	sne.s32 s2, $0x0  }
0xca: {  	s3 =	rddreg [dreg:$0x2];
	[bflag:$0x3] =	sbarrier.arrive $0xFFFF;
	s2 =	simm.s32 @!p0 $0x1C0B  }
0xcb: {  	[timem:s3], [sflag:s2] =	dma.local @!p0 [hbm:s0], s1  }
0xcc: {  	s0 =	simm.s32 @!p0 $0xB  }
0xcd: {  	_ =	swait.ge @!p0 [sflag:s0], s1  }
0xce: {  	s1 =	ssub.s32 @!p0 $0x0, s1;
	[sflag:s0] =	ssyncset.done @!p0 $0x0  }
0xcf: {  	[sflag:s0] =	ssyncadd.s32 @!p0 s1  }
0xd0: {  	[bflag:$0x3] =	sbarrier.arrive $0xFFFF  }
0xd1: {  	_ =	shalt  }

</sc_bundles>
